<compile_context>
chip_gen: v7x
topology: tpu7x:2x2x1
jax: 0.10.2.dev20260603
libtpu: 0.0.44.dev20260713+nightly
codegen_flags: <defaults>
</compile_context>

<pallas_src>
import functools

import jax
import jax.numpy as jnp
from jax import lax
from jax.experimental import pallas as pl
from jax.experimental.pallas import tpu as pltpu
from jax.experimental.pallas import tpu_sc as plsc

EMB = 128
ABLK = 2000
NC = 2
NS = 16
CHUNK = 128
ACC_ROWS = 10112


def _swish(x):
    return x * jax.nn.sigmoid(x)



def _embed_body(z_ref, emb_ref, wm_ref, bm_ref, h_ref, m_ref):
    z = z_ref[...]
    io = lax.broadcasted_iota(jnp.int32, (z.shape[0], EMB), 1)
    oh = (io == z).astype(jnp.float32)
    h = jnp.dot(oh, emb_ref[...], preferred_element_type=jnp.float32, precision=jax.lax.Precision.HIGHEST)
    h_ref[...] = h
    m_ref[...] = _swish(
        jnp.dot(h, wm_ref[...], preferred_element_type=jnp.float32, precision=jax.lax.Precision.HIGHEST) + bm_ref[...])


def _update_body(p_ref, h_ref, wu_ref, bu_ref, wn_ref, bn_ref, hn_ref, mn_ref):
    agg = p_ref[0] + p_ref[1]
    u = _swish(
        jnp.dot(agg, wu_ref[...], preferred_element_type=jnp.float32, precision=jax.lax.Precision.HIGHEST) + bu_ref[...])
    hn = h_ref[...] + u
    hn_ref[...] = hn
    mn_ref[...] = _swish(
        jnp.dot(hn, wn_ref[...], preferred_element_type=jnp.float32, precision=jax.lax.Precision.HIGHEST) + bn_ref[...])


def _dens_body(ho_ref, wsp_ref, bsp_ref, r_ref, ct_ref, al_ref, o_ref):
    sp = jnp.dot(ho_ref[...], wsp_ref[...],
                 preferred_element_type=jnp.float32, precision=jax.lax.Precision.HIGHEST) + bsp_ref[...]
    rb = r_ref[...]
    ct = ct_ref[...]
    a = al_ref[...]
    d0 = rb[:, 0:1] - ct[0:1, :]
    d1 = rb[:, 1:2] - ct[1:2, :]
    d2 = rb[:, 2:3] - ct[2:3, :]
    r2 = d0 * d0 + d1 * d1 + d2 * d2
    acc = jnp.zeros_like(r2)
    for s in range(4):
        acc = acc + sp[:, s:s + 1] * jnp.exp(r2 * (-jnp.abs(a[0:1, s:s + 1])))
    for p in range(2):
        cpp = sp[:, 4 + 3 * p:7 + 3 * p]
        pdc = jnp.dot(cpp, ct[0:3, :], preferred_element_type=jnp.float32, precision=jax.lax.Precision.HIGHEST)
        prd = jnp.sum(cpp * rb[:, 0:3], axis=1, keepdims=True)
        acc = acc + (pdc - prd) * jnp.exp(r2 * (-jnp.abs(a[0:1, 4 + p:5 + p])))
    col = jnp.sum(acc, axis=0, keepdims=True)

    @pl.when(pl.program_id(0) == 0)
    def _():
        o_ref[...] = jnp.zeros_like(o_ref)

    o_ref[...] += col



CH0 = 79
CH1 = 78


def _segsum_body(m_hbm, ej_hbm, ei_hbm, z_hbm, out_hbm,
                 idxj_v, idxi_v, rows_v, acc_sh, gsem):
    cid = lax.axis_index("c")
    sid = lax.axis_index("s")
    rpt = ACC_ROWS // NS
    pltpu.sync_copy(z_hbm, acc_sh.at[pl.ds(sid * rpt, rpt)])
    plsc.subcore_barrier()
    my_ch = jnp.where(cid == 0, CH0, CH1)
    base0 = (cid * NS * CH0 + sid * jnp.where(cid == 0, CH0, CH1)) * CHUNK

    def body(g, carry):
        @pl.when(g < my_ch)
        def _():
            base = base0 + g * CHUNK
            pltpu.sync_copy(ej_hbm.at[pl.ds(base, CHUNK)], idxj_v)
            pltpu.async_copy(m_hbm.at[idxj_v], rows_v, gsem).wait()
            pltpu.sync_copy(ei_hbm.at[pl.ds(base, CHUNK)], idxi_v)
            pltpu.sync_copy(rows_v, acc_sh.at[idxi_v], add=True)
        return carry

    lax.fori_loop(0, max(CH0, CH1), body, 0)
    plsc.subcore_barrier()
    pltpu.sync_copy(acc_sh.at[pl.ds(sid * rpt, rpt)],
                    out_hbm.at[cid, pl.ds(sid * rpt, rpt)])


@functools.cache
def _make_segsum():
    return functools.partial(
        pl.kernel,
        mesh=plsc.VectorSubcoreMesh(core_axis_name="c", subcore_axis_name="s"),
        out_type=jax.ShapeDtypeStruct((NC, ACC_ROWS, EMB), jnp.float32),
        scratch_types=[
            pltpu.VMEM((CHUNK,), jnp.int32),
            pltpu.VMEM((CHUNK,), jnp.int32),
            pltpu.VMEM((CHUNK, EMB), jnp.float32),
            pltpu.VMEM_SHARED((ACC_ROWS, EMB), jnp.float32),
            pltpu.SemaphoreType.DMA,
        ],
    )(_segsum_body)


def _segsum(m, ej, ei, zeros_src):
    return _make_segsum()(m, ej, ei, zeros_src)



def _row_specs(n):
    return [pl.BlockSpec((ABLK, EMB), lambda i: (i, 0)) for _ in range(n)]


def _full(shape):
    return pl.BlockSpec(shape, lambda i: tuple(0 for _ in shape))


def kernel(Z, N, R, edge_id_i, edge_id_j, coords, emb_table, Wm, bm, Wu, bu,
           Wo1, bo1, Ws, bs, Wp, bp, alpha_s, alpha_p):
    A = Z.shape[0]
    E = edge_id_i.shape[0]
    G = coords.shape[0]
    grid = (A // ABLK,)

    emb_pad = jnp.zeros((EMB, EMB), jnp.float32).at[:emb_table.shape[0]].set(emb_table)
    e_pad = NS * (CH0 + CH1) * CHUNK
    assert e_pad >= E
    ej = edge_id_j.astype(jnp.int32)
    ei = edge_id_i.astype(jnp.int32)
    if e_pad > E:
        ej = jnp.concatenate([ej, jnp.zeros((e_pad - E,), jnp.int32)])
        ei = jnp.concatenate([ei, jnp.full((e_pad - E,), A, jnp.int32)])
    zeros_src = jnp.zeros((ACC_ROWS // NS, EMB), jnp.float32)

    h, m = pl.pallas_call(
        _embed_body,
        grid=grid,
        in_specs=[pl.BlockSpec((ABLK, 1), lambda i: (i, 0)),
                  _full((EMB, EMB)), _full((EMB, EMB)), _full((1, EMB))],
        out_specs=_row_specs(2),
        out_shape=[jax.ShapeDtypeStruct((A, EMB), jnp.float32)] * 2,
    )(Z.reshape(A, 1).astype(jnp.int32), emb_pad, Wm[0], bm[0].reshape(1, EMB))

    NUM_BLOCKS = Wm.shape[0]
    for t in range(NUM_BLOCKS):
        parts = _segsum(m, ej, ei, zeros_src)
        if t < NUM_BLOCKS - 1:
            wn, bn = Wm[t + 1], bm[t + 1]
        else:
            wn, bn = Wo1, bo1
        h, m = pl.pallas_call(
            _update_body,
            grid=grid,
            in_specs=[pl.BlockSpec((NC, ABLK, EMB), lambda i: (0, i, 0)),
                      pl.BlockSpec((ABLK, EMB), lambda i: (i, 0)),
                      _full((EMB, EMB)), _full((1, EMB)),
                      _full((EMB, EMB)), _full((1, EMB))],
            out_specs=_row_specs(2),
            out_shape=[jax.ShapeDtypeStruct((A, EMB), jnp.float32)] * 2,
        )(parts, h, Wu[t], bu[t].reshape(1, EMB), wn, bn.reshape(1, EMB))

    wsp = jnp.zeros((EMB, 16), jnp.float32).at[:, 0:4].set(Ws).at[:, 4:10].set(Wp)
    bsp = jnp.zeros((1, 16), jnp.float32).at[0, 0:4].set(bs).at[0, 4:10].set(bp)
    rpad = jnp.zeros((A, 8), jnp.float32).at[:, 0:3].set(R)
    ct = jnp.zeros((8, G), jnp.float32).at[0:3, :].set(coords.T)
    al = jnp.zeros((1, 8), jnp.float32).at[0, 0:4].set(alpha_s).at[0, 4:6].set(alpha_p)
    dens = pl.pallas_call(
        _dens_body,
        grid=grid,
        in_specs=[pl.BlockSpec((ABLK, EMB), lambda i: (i, 0)),
                  _full((EMB, 16)), _full((1, 16)),
                  pl.BlockSpec((ABLK, 8), lambda i: (i, 0)),
                  _full((8, G)), _full((1, 8))],
        out_specs=_full((1, G)),
        out_shape=jax.ShapeDtypeStruct((1, G), jnp.float32),
    )(m, wsp, bsp, rpad, ct, al)
    return dens.reshape(G)

# --- scband reference (transcript-rebuilt; emitter-appended) ---
"""Pipeline reference for scband-dmnet-35081292873748 (READ-ONLY COPY).

The authoritative reference and input builder live on the scoring server;
editing this copy changes nothing except your own understanding.
"""

import jax, jax.numpy as jnp
import numpy as np

NUM_BLOCKS = 3
EMB = 128
N_GRID = 512
S_TYPE = 4
P_TYPE = 2
Z_MAX = 95
N_ATOMS = 10000
N_EDGES = 320000


def swish(x):
    return x * jax.nn.sigmoid(x)


def setup_inputs(seed: int = 0) -> dict:
    key = jax.random.key(seed)
    ks = jax.random.split(key, 16)
    scale = 1.0 / np.sqrt(EMB)
    inp = {}
    # forward args per input_specs
    inp["Z"] = jax.random.randint(ks[0], (N_ATOMS,), 0, Z_MAX)
    inp["N"] = N_ATOMS  # scalar atom count (single-molecule batch)
    inp["R"] = jax.random.normal(ks[1], (N_ATOMS, 3), dtype=jnp.float32) * 10.0
    inp["edge_id_i"] = jax.random.randint(ks[2], (N_EDGES,), 0, N_ATOMS)
    inp["edge_id_j"] = jax.random.randint(ks[3], (N_EDGES,), 0, N_ATOMS)
    inp["coords"] = jax.random.normal(ks[4], (N_GRID, 3), dtype=jnp.float32) * 10.0
    # learned parameters (EmbeddingBlock, InteractionBlocks, OutputBlock)
    inp["emb_table"] = jax.random.normal(ks[5], (Z_MAX, EMB), dtype=jnp.float32) * scale
    inp["Wm"] = jax.random.normal(ks[6], (NUM_BLOCKS, EMB, EMB), dtype=jnp.float32) * scale
    inp["bm"] = jnp.zeros((NUM_BLOCKS, EMB), dtype=jnp.float32)
    inp["Wu"] = jax.random.normal(ks[7], (NUM_BLOCKS, EMB, EMB), dtype=jnp.float32) * scale
    inp["bu"] = jnp.zeros((NUM_BLOCKS, EMB), dtype=jnp.float32)
    inp["Wo1"] = jax.random.normal(ks[8], (EMB, EMB), dtype=jnp.float32) * scale
    inp["bo1"] = jnp.zeros((EMB,), dtype=jnp.float32)
    inp["Ws"] = jax.random.normal(ks[9], (EMB, S_TYPE), dtype=jnp.float32) * scale
    inp["bs"] = jnp.zeros((S_TYPE,), dtype=jnp.float32)
    inp["Wp"] = jax.random.normal(ks[10], (EMB, P_TYPE * 3), dtype=jnp.float32) * scale
    inp["bp"] = jnp.zeros((P_TYPE * 3,), dtype=jnp.float32)
    inp["alpha_s"] = jnp.abs(jax.random.normal(ks[11], (S_TYPE,), dtype=jnp.float32)) + 0.5
    inp["alpha_p"] = jnp.abs(jax.random.normal(ks[12], (P_TYPE,), dtype=jnp.float32)) + 0.5
    return inp


def reference(Z, N, R, edge_id_i, edge_id_j, coords, emb_table, Wm, bm, Wu, bu,
              Wo1, bo1, Ws, bs, Wp, bp, alpha_s, alpha_p):
    # EmbeddingBlock: atomic-number embedding lookup
    h = jnp.take(emb_table, Z, axis=0)  # [A, EMB]
    n_atoms = h.shape[0]
    # InteractionBlocks: message passing (gather from j, scatter-add to i)
    for t in range(NUM_BLOCKS):
        m = swish(h @ Wm[t] + bm[t])              # node -> message transform
        m_j = jnp.take(m, edge_id_j, axis=0)       # gather source messages [E, EMB]
        agg = jnp.zeros((n_atoms, EMB), dtype=h.dtype).at[edge_id_i].add(m_j)
        h = h + swish(agg @ Wu[t] + bu[t])         # residual update
    # OutputBlock: project to s/p-type orbital coefficients, evaluate density on grid
    ho = swish(h @ Wo1 + bo1)
    cs = ho @ Ws + bs                               # [A, S]
    cp = (ho @ Wp + bp).reshape(n_atoms, P_TYPE, 3)  # [A, P, 3]
    d = coords[:, None, :] - R[None, :, :]          # [G, A, 3]
    r2 = jnp.sum(d * d, axis=-1)                    # [G, A]
    es = jnp.exp(-jnp.abs(alpha_s)[None, None, :] * r2[:, :, None])  # [G, A, S]
    dens_s = jnp.einsum('gas,as->g', es, cs)
    ep = jnp.exp(-jnp.abs(alpha_p)[None, None, :] * r2[:, :, None])  # [G, A, P]
    dens_p = jnp.einsum('gap,apk,gak->g', ep, cp, d)
    return dens_s + dens_p  # [G]


if False:  # reference __main__ guard neutralized (emitter)
    out = reference(**setup_inputs())
    print(out.shape, out.dtype)

if __name__ == "__main__":
    import jax
    _d = setup_inputs()
    print(jax.jit(kernel)(*tuple(_d.values())))

</pallas_src>

<mosaic_0001>
#map = affine_map<(d0, d1) -> (0, 0)>
#map1 = affine_map<(d0, d1) -> (0)>
#map2 = affine_map<(d0, d1) -> (0, 0, 0)>
module attributes {stable_mosaic.version = 14 : i64} {
  func.func @_segsum_body(%arg0: i32, %arg1: i32, %arg2: memref<10000x128xf32, #tpu.memory_space<hbm>>, %arg3: memref<321536xi32, #tpu.memory_space<hbm>>, %arg4: memref<321536xi32, #tpu.memory_space<hbm>>, %arg5: memref<632x128xf32, #tpu.memory_space<hbm>>, %arg6: memref<2x10112x128xf32, #tpu.memory_space<hbm>>, %arg7: memref<128xi32, #tpu.memory_space<vmem>>, %arg8: memref<128xi32, #tpu.memory_space<vmem>>, %arg9: memref<128x128xf32, #tpu.memory_space<vmem>>, %arg10: memref<10112x128xf32, #tpu.memory_space<vmem_shared>>, %arg11: memref<!tpu.dma_semaphore, #tpu.memory_space<semaphore_mem>>) attributes {dimension_semantics = [#tpu.dimension_semantics<core_parallel>, #tpu.dimension_semantics<subcore_parallel>], iteration_bounds = array<i64: 2, 16>, scalar_prefetch = 0 : i64, scratch_operands = 5 : i64, tpu.core_type = #tpu.core_type<sc_vector_subcore>, window_params = [{transform_indices = #map}, {transform_indices = #map1}, {transform_indices = #map1}, {transform_indices = #map}, {transform_indices = #map2}]} {
    %mul3A = arith.constant 632 : i32
    %mul3A_0 = arith.muli %arg1, %mul3A : i32
    "tpu.region"() ({
      %run_scoped3A = tpu.sem_alloc : memref<!tpu.dma_semaphore, #tpu.memory_space<semaphore_mem>>
      %dma_start3A = arith.constant 0 : i32
      %dma_start3A_25 = tpu.memref_slice %arg10[%mul3A_0, %dma_start3A] : memref<10112x128xf32, #tpu.memory_space<vmem_shared>> -> memref<632x128xf32, #tpu.memory_space<vmem_shared>>
      tpu.enqueue_dma source(%arg5 : memref<632x128xf32, #tpu.memory_space<hbm>>) target(%dma_start3A_25 : memref<632x128xf32, #tpu.memory_space<vmem_shared>>) target_semaphore(%run_scoped3A : memref<!tpu.dma_semaphore, #tpu.memory_space<semaphore_mem>>)
      %dma_wait3A = arith.constant 0 : i32
      %dma_wait3A_26 = tpu.memref_slice %arg10[%mul3A_0, %dma_wait3A] : memref<10112x128xf32, #tpu.memory_space<vmem_shared>> -> memref<632x128xf32, #tpu.memory_space<vmem_shared>>
      tpu.wait_dma2 semaphore(%run_scoped3A : memref<!tpu.dma_semaphore, #tpu.memory_space<semaphore_mem>>) src(%arg5 : memref<632x128xf32, #tpu.memory_space<hbm>>) dst(%dma_wait3A_26 : memref<632x128xf32, #tpu.memory_space<vmem_shared>>)
      tpu.yield
    }) : () -> ()
    %barrier3A = arith.constant 0 : index
    tpu.barrier barrier_id(%barrier3A)
    %eq3A = arith.constant 0 : i32
    %eq3A_1 = arith.cmpi eq, %arg0, %eq3A : i32
    %jit3A = arith.constant 79 : i32
    %jit3A_2 = arith.constant 78 : i32
    %select_n3A = arith.select %eq3A_1, %jit3A, %jit3A_2 : i32
    %mul3A_3 = arith.constant 16 : i32
    %mul3A_4 = arith.muli %arg0, %mul3A_3 : i32
    %mul3A_5 = arith.constant 79 : i32
    %mul3A_6 = arith.muli %mul3A_4, %mul3A_5 : i32
    %eq3A_7 = arith.constant 0 : i32
    %eq3A_8 = arith.cmpi eq, %arg0, %eq3A_7 : i32
    %jit3A_9 = arith.constant 79 : i32
    %jit3A_10 = arith.constant 78 : i32
    %select_n3A_11 = arith.select %eq3A_8, %jit3A_9, %jit3A_10 : i32
    %mul3A_12 = arith.muli %arg1, %select_n3A_11 : i32
    %add3A = arith.addi %mul3A_6, %mul3A_12 : i32
    %mul3A_13 = arith.constant 128 : i32
    %mul3A_14 = arith.muli %add3A, %mul3A_13 : i32
    %scan3A = arith.constant 0 : i32
    %scan3A_15 = arith.constant 0 : i32
    %scan3A_16 = arith.constant 79 : i32
    %scan3A_17 = arith.addi %scan3A_15, %scan3A_16 : i32
    %scan3A_18 = arith.constant 1 : i32
    scf.for %scan3A_25 = %scan3A_15 to %scan3A_17 step %scan3A_18  : i32 {
      %lt3A = arith.cmpi slt, %scan3A_25, %select_n3A : i32
      %convert_element_type3A = arith.extui %lt3A : i1 to i32
      %cond3A = arith.constant 0 : i32
      %cond3A_26 = arith.cmpi ne, %convert_element_type3A, %cond3A : i32
      scf.if %cond3A_26 {
        %mul3A_27 = arith.constant 128 : i32
        %mul3A_28 = arith.muli %scan3A_25, %mul3A_27 : i32
        %add3A_29 = arith.addi %mul3A_14, %mul3A_28 : i32
        "tpu.region"() ({
          %run_scoped3A = tpu.sem_alloc : memref<!tpu.dma_semaphore, #tpu.memory_space<semaphore_mem>>
          %dma_start3A_34 = tpu.memref_slice %arg3[%add3A_29] : memref<321536xi32, #tpu.memory_space<hbm>> -> memref<128xi32, #tpu.memory_space<hbm>>
          %dma_start3A_35 = tpu.memref_slice %arg3[%add3A_29] : memref<321536xi32, #tpu.memory_space<hbm>> -> memref<128xi32, #tpu.memory_space<hbm>>
          tpu.enqueue_dma source(%dma_start3A_35 : memref<128xi32, #tpu.memory_space<hbm>>) target(%arg7 : memref<128xi32, #tpu.memory_space<vmem>>) target_semaphore(%run_scoped3A : memref<!tpu.dma_semaphore, #tpu.memory_space<semaphore_mem>>)
          %dma_wait3A_36 = tpu.memref_slice %arg3[%add3A_29] : memref<321536xi32, #tpu.memory_space<hbm>> -> memref<128xi32, #tpu.memory_space<hbm>>
          %dma_wait3A_37 = tpu.memref_slice %arg3[%add3A_29] : memref<321536xi32, #tpu.memory_space<hbm>> -> memref<128xi32, #tpu.memory_space<hbm>>
          tpu.wait_dma2 semaphore(%run_scoped3A : memref<!tpu.dma_semaphore, #tpu.memory_space<semaphore_mem>>) src(%dma_wait3A_37 : memref<128xi32, #tpu.memory_space<hbm>>) dst(%arg7 : memref<128xi32, #tpu.memory_space<vmem>>)
          tpu.yield
        }) : () -> ()
        %dma_start3A = arith.constant 0 : i32
        %dma_start3A_30 = arith.constant 0 : i32
        %dma_start3A_31 = tpu.memref_slice %arg2[%dma_start3A, %dma_start3A_30] : memref<10000x128xf32, #tpu.memory_space<hbm>> -> memref<10000x128xf32, #tpu.memory_space<hbm>>
        tpu.enqueue_indirect_dma source(%dma_start3A_31 : memref<10000x128xf32, #tpu.memory_space<hbm>>) target(%arg9 : memref<128x128xf32, #tpu.memory_space<vmem>>) offsets(%arg7 : memref<128xi32, #tpu.memory_space<vmem>>) semaphore(%arg11 : memref<!tpu.dma_semaphore, #tpu.memory_space<semaphore_mem>>)
        %dma_wait3A = arith.constant 0 : i32
        %dma_wait3A_32 = arith.constant 0 : i32
        %dma_wait3A_33 = tpu.memref_slice %arg2[%dma_wait3A, %dma_wait3A_32] : memref<10000x128xf32, #tpu.memory_space<hbm>> -> memref<10000x128xf32, #tpu.memory_space<hbm>>
        tpu.wait_indirect_dma semaphore(%arg11 : memref<!tpu.dma_semaphore, #tpu.memory_space<semaphore_mem>>) src(%dma_wait3A_33 : memref<10000x128xf32, #tpu.memory_space<hbm>>) dst(%arg9 : memref<128x128xf32, #tpu.memory_space<vmem>>)
        "tpu.region"() ({
          %run_scoped3A = tpu.sem_alloc : memref<!tpu.dma_semaphore, #tpu.memory_space<semaphore_mem>>
          %dma_start3A_34 = tpu.memref_slice %arg4[%add3A_29] : memref<321536xi32, #tpu.memory_space<hbm>> -> memref<128xi32, #tpu.memory_space<hbm>>
          %dma_start3A_35 = tpu.memref_slice %arg4[%add3A_29] : memref<321536xi32, #tpu.memory_space<hbm>> -> memref<128xi32, #tpu.memory_space<hbm>>
          tpu.enqueue_dma source(%dma_start3A_35 : memref<128xi32, #tpu.memory_space<hbm>>) target(%arg8 : memref<128xi32, #tpu.memory_space<vmem>>) target_semaphore(%run_scoped3A : memref<!tpu.dma_semaphore, #tpu.memory_space<semaphore_mem>>)
          %dma_wait3A_36 = tpu.memref_slice %arg4[%add3A_29] : memref<321536xi32, #tpu.memory_space<hbm>> -> memref<128xi32, #tpu.memory_space<hbm>>
          %dma_wait3A_37 = tpu.memref_slice %arg4[%add3A_29] : memref<321536xi32, #tpu.memory_space<hbm>> -> memref<128xi32, #tpu.memory_space<hbm>>
          tpu.wait_dma2 semaphore(%run_scoped3A : memref<!tpu.dma_semaphore, #tpu.memory_space<semaphore_mem>>) src(%dma_wait3A_37 : memref<128xi32, #tpu.memory_space<hbm>>) dst(%arg8 : memref<128xi32, #tpu.memory_space<vmem>>)
          tpu.yield
        }) : () -> ()
        "tpu.region"() ({
          %run_scoped3A = tpu.sem_alloc : memref<!tpu.dma_semaphore, #tpu.memory_space<semaphore_mem>>
          %dma_start3A_34 = arith.constant 0 : i32
          %dma_start3A_35 = arith.constant 0 : i32
          %dma_start3A_36 = tpu.memref_slice %arg10[%dma_start3A_34, %dma_start3A_35] : memref<10112x128xf32, #tpu.memory_space<vmem_shared>> -> memref<10112x128xf32, #tpu.memory_space<vmem_shared>>
          tpu.enqueue_indirect_dma source(%arg9 : memref<128x128xf32, #tpu.memory_space<vmem>>) target(%dma_start3A_36 : memref<10112x128xf32, #tpu.memory_space<vmem_shared>>) offsets(%arg8 : memref<128xi32, #tpu.memory_space<vmem>>) semaphore(%run_scoped3A : memref<!tpu.dma_semaphore, #tpu.memory_space<semaphore_mem>>) {add = true}
          %dma_wait3A_37 = arith.constant 0 : i32
          %dma_wait3A_38 = arith.constant 0 : i32
          %dma_wait3A_39 = tpu.memref_slice %arg10[%dma_wait3A_37, %dma_wait3A_38] : memref<10112x128xf32, #tpu.memory_space<vmem_shared>> -> memref<10112x128xf32, #tpu.memory_space<vmem_shared>>
          tpu.wait_indirect_dma semaphore(%run_scoped3A : memref<!tpu.dma_semaphore, #tpu.memory_space<semaphore_mem>>) src(%arg9 : memref<128x128xf32, #tpu.memory_space<vmem>>) dst(%dma_wait3A_39 : memref<10112x128xf32, #tpu.memory_space<vmem_shared>>)
          tpu.yield
        }) : () -> ()
      } else {
      }
    }
    %scan3A_19 = arith.constant 79 : i32
    %barrier3A_20 = arith.constant 0 : index
    tpu.barrier barrier_id(%barrier3A_20)
    %mul3A_21 = arith.constant 632 : i32
    %mul3A_22 = arith.muli %arg1, %mul3A_21 : i32
    %mul3A_23 = arith.constant 632 : i32
    %mul3A_24 = arith.muli %arg1, %mul3A_23 : i32
    "tpu.region"() ({
      %run_scoped3A = tpu.sem_alloc : memref<!tpu.dma_semaphore, #tpu.memory_space<semaphore_mem>>
      %dma_start3A = arith.constant 0 : i32
      %dma_start3A_25 = tpu.memref_slice %arg6[%arg0, %mul3A_24, %dma_start3A] : memref<2x10112x128xf32, #tpu.memory_space<hbm>> -> memref<1x632x128xf32, #tpu.memory_space<hbm>>
      %dma_start3A_26 = tpu.memref_squeeze %dma_start3A_25 : memref<1x632x128xf32, #tpu.memory_space<hbm>> -> memref<632x128xf32, #tpu.memory_space<hbm>>
      %dma_start3A_27 = arith.constant 0 : i32
      %dma_start3A_28 = tpu.memref_slice %arg10[%mul3A_22, %dma_start3A_27] : memref<10112x128xf32, #tpu.memory_space<vmem_shared>> -> memref<632x128xf32, #tpu.memory_space<vmem_shared>>
      tpu.enqueue_dma source(%dma_start3A_28 : memref<632x128xf32, #tpu.memory_space<vmem_shared>>) target(%dma_start3A_26 : memref<632x128xf32, #tpu.memory_space<hbm>>) target_semaphore(%run_scoped3A : memref<!tpu.dma_semaphore, #tpu.memory_space<semaphore_mem>>)
      %dma_wait3A = arith.constant 0 : i32
      %dma_wait3A_29 = tpu.memref_slice %arg6[%arg0, %mul3A_24, %dma_wait3A] : memref<2x10112x128xf32, #tpu.memory_space<hbm>> -> memref<1x632x128xf32, #tpu.memory_space<hbm>>
      %dma_wait3A_30 = tpu.memref_squeeze %dma_wait3A_29 : memref<1x632x128xf32, #tpu.memory_space<hbm>> -> memref<632x128xf32, #tpu.memory_space<hbm>>
      %dma_wait3A_31 = arith.constant 0 : i32
      %dma_wait3A_32 = tpu.memref_slice %arg10[%mul3A_22, %dma_wait3A_31] : memref<10112x128xf32, #tpu.memory_space<vmem_shared>> -> memref<632x128xf32, #tpu.memory_space<vmem_shared>>
      tpu.wait_dma2 semaphore(%run_scoped3A : memref<!tpu.dma_semaphore, #tpu.memory_space<semaphore_mem>>) src(%dma_wait3A_32 : memref<632x128xf32, #tpu.memory_space<vmem_shared>>) dst(%dma_wait3A_30 : memref<632x128xf32, #tpu.memory_space<hbm>>)
      tpu.yield
    }) : () -> ()
    return
  }
}

#map = affine_map<(d0, d1) -> (0, 0)>
#map1 = affine_map<(d0, d1) -> (0)>
#map2 = affine_map<(d0, d1) -> (0, 0, 0)>
module attributes {stable_mosaic.version = 14 : i64} {
  func.func @_segsum_body(%arg0: i32, %arg1: i32, %arg2: memref<10000x128xf32, #tpu.memory_space<hbm>>, %arg3: memref<321536xi32, #tpu.memory_space<hbm>>, %arg4: memref<321536xi32, #tpu.memory_space<hbm>>, %arg5: memref<632x128xf32, #tpu.memory_space<hbm>>, %arg6: memref<2x10112x128xf32, #tpu.memory_space<hbm>>, %arg7: memref<128xi32, #tpu.memory_space<vmem>>, %arg8: memref<128xi32, #tpu.memory_space<vmem>>, %arg9: memref<128x128xf32, #tpu.memory_space<vmem>>, %arg10: memref<10112x128xf32, #tpu.memory_space<vmem_shared>>, %arg11: memref<!tpu.dma_semaphore, #tpu.memory_space<semaphore_mem>>) attributes {dimension_semantics = [#tpu.dimension_semantics<core_parallel>, #tpu.dimension_semantics<subcore_parallel>], iteration_bounds = array<i64: 2, 16>, scalar_prefetch = 0 : i64, scratch_operands = 5 : i64, tpu.core_type = #tpu.core_type<sc_vector_subcore>, window_params = [{transform_indices = #map}, {transform_indices = #map1}, {transform_indices = #map1}, {transform_indices = #map}, {transform_indices = #map2}]} {
    %mul3A = arith.constant 632 : i32
    %mul3A_0 = arith.muli %arg1, %mul3A : i32
    "tpu.region"() ({
      %run_scoped3A = tpu.sem_alloc : memref<!tpu.dma_semaphore, #tpu.memory_space<semaphore_mem>>
      %dma_start3A = arith.constant 0 : i32
      %dma_start3A_25 = tpu.memref_slice %arg10[%mul3A_0, %dma_start3A] : memref<10112x128xf32, #tpu.memory_space<vmem_shared>> -> memref<632x128xf32, #tpu.memory_space<vmem_shared>>
      tpu.enqueue_dma source(%arg5 : memref<632x128xf32, #tpu.memory_space<hbm>>) target(%dma_start3A_25 : memref<632x128xf32, #tpu.memory_space<vmem_shared>>) target_semaphore(%run_scoped3A : memref<!tpu.dma_semaphore, #tpu.memory_space<semaphore_mem>>)
      %dma_wait3A = arith.constant 0 : i32
      %dma_wait3A_26 = tpu.memref_slice %arg10[%mul3A_0, %dma_wait3A] : memref<10112x128xf32, #tpu.memory_space<vmem_shared>> -> memref<632x128xf32, #tpu.memory_space<vmem_shared>>
      tpu.wait_dma2 semaphore(%run_scoped3A : memref<!tpu.dma_semaphore, #tpu.memory_space<semaphore_mem>>) src(%arg5 : memref<632x128xf32, #tpu.memory_space<hbm>>) dst(%dma_wait3A_26 : memref<632x128xf32, #tpu.memory_space<vmem_shared>>)
      tpu.yield
    }) : () -> ()
    %barrier3A = arith.constant 0 : index
    tpu.barrier barrier_id(%barrier3A)
    %eq3A = arith.constant 0 : i32
    %eq3A_1 = arith.cmpi eq, %arg0, %eq3A : i32
    %jit3A = arith.constant 79 : i32
    %jit3A_2 = arith.constant 78 : i32
    %select_n3A = arith.select %eq3A_1, %jit3A, %jit3A_2 : i32
    %mul3A_3 = arith.constant 16 : i32
    %mul3A_4 = arith.muli %arg0, %mul3A_3 : i32
    %mul3A_5 = arith.constant 79 : i32
    %mul3A_6 = arith.muli %mul3A_4, %mul3A_5 : i32
    %eq3A_7 = arith.constant 0 : i32
    %eq3A_8 = arith.cmpi eq, %arg0, %eq3A_7 : i32
    %jit3A_9 = arith.constant 79 : i32
    %jit3A_10 = arith.constant 78 : i32
    %select_n3A_11 = arith.select %eq3A_8, %jit3A_9, %jit3A_10 : i32
    %mul3A_12 = arith.muli %arg1, %select_n3A_11 : i32
    %add3A = arith.addi %mul3A_6, %mul3A_12 : i32
    %mul3A_13 = arith.constant 128 : i32
    %mul3A_14 = arith.muli %add3A, %mul3A_13 : i32
    %scan3A = arith.constant 0 : i32
    %scan3A_15 = arith.constant 0 : i32
    %scan3A_16 = arith.constant 79 : i32
    %scan3A_17 = arith.addi %scan3A_15, %scan3A_16 : i32
    %scan3A_18 = arith.constant 1 : i32
    scf.for %scan3A_25 = %scan3A_15 to %scan3A_17 step %scan3A_18  : i32 {
      %lt3A = arith.cmpi slt, %scan3A_25, %select_n3A : i32
      %convert_element_type3A = arith.extui %lt3A : i1 to i32
      %cond3A = arith.constant 0 : i32
      %cond3A_26 = arith.cmpi ne, %convert_element_type3A, %cond3A : i32
      scf.if %cond3A_26 {
        %mul3A_27 = arith.constant 128 : i32
        %mul3A_28 = arith.muli %scan3A_25, %mul3A_27 : i32
        %add3A_29 = arith.addi %mul3A_14, %mul3A_28 : i32
        "tpu.region"() ({
          %run_scoped3A = tpu.sem_alloc : memref<!tpu.dma_semaphore, #tpu.memory_space<semaphore_mem>>
          %dma_start3A_34 = tpu.memref_slice %arg3[%add3A_29] : memref<321536xi32, #tpu.memory_space<hbm>> -> memref<128xi32, #tpu.memory_space<hbm>>
          %dma_start3A_35 = tpu.memref_slice %arg3[%add3A_29] : memref<321536xi32, #tpu.memory_space<hbm>> -> memref<128xi32, #tpu.memory_space<hbm>>
          tpu.enqueue_dma source(%dma_start3A_35 : memref<128xi32, #tpu.memory_space<hbm>>) target(%arg7 : memref<128xi32, #tpu.memory_space<vmem>>) target_semaphore(%run_scoped3A : memref<!tpu.dma_semaphore, #tpu.memory_space<semaphore_mem>>)
          %dma_wait3A_36 = tpu.memref_slice %arg3[%add3A_29] : memref<321536xi32, #tpu.memory_space<hbm>> -> memref<128xi32, #tpu.memory_space<hbm>>
          %dma_wait3A_37 = tpu.memref_slice %arg3[%add3A_29] : memref<321536xi32, #tpu.memory_space<hbm>> -> memref<128xi32, #tpu.memory_space<hbm>>
          tpu.wait_dma2 semaphore(%run_scoped3A : memref<!tpu.dma_semaphore, #tpu.memory_space<semaphore_mem>>) src(%dma_wait3A_37 : memref<128xi32, #tpu.memory_space<hbm>>) dst(%arg7 : memref<128xi32, #tpu.memory_space<vmem>>)
          tpu.yield
        }) : () -> ()
        %dma_start3A = arith.constant 0 : i32
        %dma_start3A_30 = arith.constant 0 : i32
        %dma_start3A_31 = tpu.memref_slice %arg2[%dma_start3A, %dma_start3A_30] : memref<10000x128xf32, #tpu.memory_space<hbm>> -> memref<10000x128xf32, #tpu.memory_space<hbm>>
        tpu.enqueue_indirect_dma source(%dma_start3A_31 : memref<10000x128xf32, #tpu.memory_space<hbm>>) target(%arg9 : memref<128x128xf32, #tpu.memory_space<vmem>>) offsets(%arg7 : memref<128xi32, #tpu.memory_space<vmem>>) semaphore(%arg11 : memref<!tpu.dma_semaphore, #tpu.memory_space<semaphore_mem>>)
        %dma_wait3A = arith.constant 0 : i32
        %dma_wait3A_32 = arith.constant 0 : i32
        %dma_wait3A_33 = tpu.memref_slice %arg2[%dma_wait3A, %dma_wait3A_32] : memref<10000x128xf32, #tpu.memory_space<hbm>> -> memref<10000x128xf32, #tpu.memory_space<hbm>>
        tpu.wait_indirect_dma semaphore(%arg11 : memref<!tpu.dma_semaphore, #tpu.memory_space<semaphore_mem>>) src(%dma_wait3A_33 : memref<10000x128xf32, #tpu.memory_space<hbm>>) dst(%arg9 : memref<128x128xf32, #tpu.memory_space<vmem>>)
        "tpu.region"() ({
          %run_scoped3A = tpu.sem_alloc : memref<!tpu.dma_semaphore, #tpu.memory_space<semaphore_mem>>
          %dma_start3A_34 = tpu.memref_slice %arg4[%add3A_29] : memref<321536xi32, #tpu.memory_space<hbm>> -> memref<128xi32, #tpu.memory_space<hbm>>
          %dma_start3A_35 = tpu.memref_slice %arg4[%add3A_29] : memref<321536xi32, #tpu.memory_space<hbm>> -> memref<128xi32, #tpu.memory_space<hbm>>
          tpu.enqueue_dma source(%dma_start3A_35 : memref<128xi32, #tpu.memory_space<hbm>>) target(%arg8 : memref<128xi32, #tpu.memory_space<vmem>>) target_semaphore(%run_scoped3A : memref<!tpu.dma_semaphore, #tpu.memory_space<semaphore_mem>>)
          %dma_wait3A_36 = tpu.memref_slice %arg4[%add3A_29] : memref<321536xi32, #tpu.memory_space<hbm>> -> memref<128xi32, #tpu.memory_space<hbm>>
          %dma_wait3A_37 = tpu.memref_slice %arg4[%add3A_29] : memref<321536xi32, #tpu.memory_space<hbm>> -> memref<128xi32, #tpu.memory_space<hbm>>
          tpu.wait_dma2 semaphore(%run_scoped3A : memref<!tpu.dma_semaphore, #tpu.memory_space<semaphore_mem>>) src(%dma_wait3A_37 : memref<128xi32, #tpu.memory_space<hbm>>) dst(%arg8 : memref<128xi32, #tpu.memory_space<vmem>>)
          tpu.yield
        }) : () -> ()
        "tpu.region"() ({
          %run_scoped3A = tpu.sem_alloc : memref<!tpu.dma_semaphore, #tpu.memory_space<semaphore_mem>>
          %dma_start3A_34 = arith.constant 0 : i32
          %dma_start3A_35 = arith.constant 0 : i32
          %dma_start3A_36 = tpu.memref_slice %arg10[%dma_start3A_34, %dma_start3A_35] : memref<10112x128xf32, #tpu.memory_space<vmem_shared>> -> memref<10112x128xf32, #tpu.memory_space<vmem_shared>>
          tpu.enqueue_indirect_dma source(%arg9 : memref<128x128xf32, #tpu.memory_space<vmem>>) target(%dma_start3A_36 : memref<10112x128xf32, #tpu.memory_space<vmem_shared>>) offsets(%arg8 : memref<128xi32, #tpu.memory_space<vmem>>) semaphore(%run_scoped3A : memref<!tpu.dma_semaphore, #tpu.memory_space<semaphore_mem>>) {add = true}
          %dma_wait3A_37 = arith.constant 0 : i32
          %dma_wait3A_38 = arith.constant 0 : i32
          %dma_wait3A_39 = tpu.memref_slice %arg10[%dma_wait3A_37, %dma_wait3A_38] : memref<10112x128xf32, #tpu.memory_space<vmem_shared>> -> memref<10112x128xf32, #tpu.memory_space<vmem_shared>>
          tpu.wait_indirect_dma semaphore(%run_scoped3A : memref<!tpu.dma_semaphore, #tpu.memory_space<semaphore_mem>>) src(%arg9 : memref<128x128xf32, #tpu.memory_space<vmem>>) dst(%dma_wait3A_39 : memref<10112x128xf32, #tpu.memory_space<vmem_shared>>)
          tpu.yield
        }) : () -> ()
      } else {
      }
    }
    %scan3A_19 = arith.constant 79 : i32
    %barrier3A_20 = arith.constant 0 : index
    tpu.barrier barrier_id(%barrier3A_20)
    %mul3A_21 = arith.constant 632 : i32
    %mul3A_22 = arith.muli %arg1, %mul3A_21 : i32
    %mul3A_23 = arith.constant 632 : i32
    %mul3A_24 = arith.muli %arg1, %mul3A_23 : i32
    "tpu.region"() ({
      %run_scoped3A = tpu.sem_alloc : memref<!tpu.dma_semaphore, #tpu.memory_space<semaphore_mem>>
      %dma_start3A = arith.constant 0 : i32
      %dma_start3A_25 = tpu.memref_slice %arg6[%arg0, %mul3A_24, %dma_start3A] : memref<2x10112x128xf32, #tpu.memory_space<hbm>> -> memref<1x632x128xf32, #tpu.memory_space<hbm>>
      %dma_start3A_26 = tpu.memref_squeeze %dma_start3A_25 : memref<1x632x128xf32, #tpu.memory_space<hbm>> -> memref<632x128xf32, #tpu.memory_space<hbm>>
      %dma_start3A_27 = arith.constant 0 : i32
      %dma_start3A_28 = tpu.memref_slice %arg10[%mul3A_22, %dma_start3A_27] : memref<10112x128xf32, #tpu.memory_space<vmem_shared>> -> memref<632x128xf32, #tpu.memory_space<vmem_shared>>
      tpu.enqueue_dma source(%dma_start3A_28 : memref<632x128xf32, #tpu.memory_space<vmem_shared>>) target(%dma_start3A_26 : memref<632x128xf32, #tpu.memory_space<hbm>>) target_semaphore(%run_scoped3A : memref<!tpu.dma_semaphore, #tpu.memory_space<semaphore_mem>>)
      %dma_wait3A = arith.constant 0 : i32
      %dma_wait3A_29 = tpu.memref_slice %arg6[%arg0, %mul3A_24, %dma_wait3A] : memref<2x10112x128xf32, #tpu.memory_space<hbm>> -> memref<1x632x128xf32, #tpu.memory_space<hbm>>
      %dma_wait3A_30 = tpu.memref_squeeze %dma_wait3A_29 : memref<1x632x128xf32, #tpu.memory_space<hbm>> -> memref<632x128xf32, #tpu.memory_space<hbm>>
      %dma_wait3A_31 = arith.constant 0 : i32
      %dma_wait3A_32 = tpu.memref_slice %arg10[%mul3A_22, %dma_wait3A_31] : memref<10112x128xf32, #tpu.memory_space<vmem_shared>> -> memref<632x128xf32, #tpu.memory_space<vmem_shared>>
      tpu.wait_dma2 semaphore(%run_scoped3A : memref<!tpu.dma_semaphore, #tpu.memory_space<semaphore_mem>>) src(%dma_wait3A_32 : memref<632x128xf32, #tpu.memory_space<vmem_shared>>) dst(%dma_wait3A_30 : memref<632x128xf32, #tpu.memory_space<hbm>>)
      tpu.yield
    }) : () -> ()
    return
  }
}

#map = affine_map<(d0, d1) -> (0, 0)>
#map1 = affine_map<(d0, d1) -> (0)>
#map2 = affine_map<(d0, d1) -> (0, 0, 0)>
module attributes {stable_mosaic.version = 14 : i64} {
  func.func @_segsum_body(%arg0: i32, %arg1: i32, %arg2: memref<10000x128xf32, #tpu.memory_space<hbm>>, %arg3: memref<321536xi32, #tpu.memory_space<hbm>>, %arg4: memref<321536xi32, #tpu.memory_space<hbm>>, %arg5: memref<632x128xf32, #tpu.memory_space<hbm>>, %arg6: memref<2x10112x128xf32, #tpu.memory_space<hbm>>, %arg7: memref<128xi32, #tpu.memory_space<vmem>>, %arg8: memref<128xi32, #tpu.memory_space<vmem>>, %arg9: memref<128x128xf32, #tpu.memory_space<vmem>>, %arg10: memref<10112x128xf32, #tpu.memory_space<vmem_shared>>, %arg11: memref<!tpu.dma_semaphore, #tpu.memory_space<semaphore_mem>>) attributes {dimension_semantics = [#tpu.dimension_semantics<core_parallel>, #tpu.dimension_semantics<subcore_parallel>], iteration_bounds = array<i64: 2, 16>, scalar_prefetch = 0 : i64, scratch_operands = 5 : i64, tpu.core_type = #tpu.core_type<sc_vector_subcore>, window_params = [{transform_indices = #map}, {transform_indices = #map1}, {transform_indices = #map1}, {transform_indices = #map}, {transform_indices = #map2}]} {
    %mul3A = arith.constant 632 : i32
    %mul3A_0 = arith.muli %arg1, %mul3A : i32
    "tpu.region"() ({
      %run_scoped3A = tpu.sem_alloc : memref<!tpu.dma_semaphore, #tpu.memory_space<semaphore_mem>>
      %dma_start3A = arith.constant 0 : i32
      %dma_start3A_25 = tpu.memref_slice %arg10[%mul3A_0, %dma_start3A] : memref<10112x128xf32, #tpu.memory_space<vmem_shared>> -> memref<632x128xf32, #tpu.memory_space<vmem_shared>>
      tpu.enqueue_dma source(%arg5 : memref<632x128xf32, #tpu.memory_space<hbm>>) target(%dma_start3A_25 : memref<632x128xf32, #tpu.memory_space<vmem_shared>>) target_semaphore(%run_scoped3A : memref<!tpu.dma_semaphore, #tpu.memory_space<semaphore_mem>>)
      %dma_wait3A = arith.constant 0 : i32
      %dma_wait3A_26 = tpu.memref_slice %arg10[%mul3A_0, %dma_wait3A] : memref<10112x128xf32, #tpu.memory_space<vmem_shared>> -> memref<632x128xf32, #tpu.memory_space<vmem_shared>>
      tpu.wait_dma2 semaphore(%run_scoped3A : memref<!tpu.dma_semaphore, #tpu.memory_space<semaphore_mem>>) src(%arg5 : memref<632x128xf32, #tpu.memory_space<hbm>>) dst(%dma_wait3A_26 : memref<632x128xf32, #tpu.memory_space<vmem_shared>>)
      tpu.yield
    }) : () -> ()
    %barrier3A = arith.constant 0 : index
    tpu.barrier barrier_id(%barrier3A)
    %eq3A = arith.constant 0 : i32
    %eq3A_1 = arith.cmpi eq, %arg0, %eq3A : i32
    %jit3A = arith.constant 79 : i32
    %jit3A_2 = arith.constant 78 : i32
    %select_n3A = arith.select %eq3A_1, %jit3A, %jit3A_2 : i32
    %mul3A_3 = arith.constant 16 : i32
    %mul3A_4 = arith.muli %arg0, %mul3A_3 : i32
    %mul3A_5 = arith.constant 79 : i32
    %mul3A_6 = arith.muli %mul3A_4, %mul3A_5 : i32
    %eq3A_7 = arith.constant 0 : i32
    %eq3A_8 = arith.cmpi eq, %arg0, %eq3A_7 : i32
    %jit3A_9 = arith.constant 79 : i32
    %jit3A_10 = arith.constant 78 : i32
    %select_n3A_11 = arith.select %eq3A_8, %jit3A_9, %jit3A_10 : i32
    %mul3A_12 = arith.muli %arg1, %select_n3A_11 : i32
    %add3A = arith.addi %mul3A_6, %mul3A_12 : i32
    %mul3A_13 = arith.constant 128 : i32
    %mul3A_14 = arith.muli %add3A, %mul3A_13 : i32
    %scan3A = arith.constant 0 : i32
    %scan3A_15 = arith.constant 0 : i32
    %scan3A_16 = arith.constant 79 : i32
    %scan3A_17 = arith.addi %scan3A_15, %scan3A_16 : i32
    %scan3A_18 = arith.constant 1 : i32
    scf.for %scan3A_25 = %scan3A_15 to %scan3A_17 step %scan3A_18  : i32 {
      %lt3A = arith.cmpi slt, %scan3A_25, %select_n3A : i32
      %convert_element_type3A = arith.extui %lt3A : i1 to i32
      %cond3A = arith.constant 0 : i32
      %cond3A_26 = arith.cmpi ne, %convert_element_type3A, %cond3A : i32
      scf.if %cond3A_26 {
        %mul3A_27 = arith.constant 128 : i32
        %mul3A_28 = arith.muli %scan3A_25, %mul3A_27 : i32
        %add3A_29 = arith.addi %mul3A_14, %mul3A_28 : i32
        "tpu.region"() ({
          %run_scoped3A = tpu.sem_alloc : memref<!tpu.dma_semaphore, #tpu.memory_space<semaphore_mem>>
          %dma_start3A_34 = tpu.memref_slice %arg3[%add3A_29] : memref<321536xi32, #tpu.memory_space<hbm>> -> memref<128xi32, #tpu.memory_space<hbm>>
          %dma_start3A_35 = tpu.memref_slice %arg3[%add3A_29] : memref<321536xi32, #tpu.memory_space<hbm>> -> memref<128xi32, #tpu.memory_space<hbm>>
          tpu.enqueue_dma source(%dma_start3A_35 : memref<128xi32, #tpu.memory_space<hbm>>) target(%arg7 : memref<128xi32, #tpu.memory_space<vmem>>) target_semaphore(%run_scoped3A : memref<!tpu.dma_semaphore, #tpu.memory_space<semaphore_mem>>)
          %dma_wait3A_36 = tpu.memref_slice %arg3[%add3A_29] : memref<321536xi32, #tpu.memory_space<hbm>> -> memref<128xi32, #tpu.memory_space<hbm>>
          %dma_wait3A_37 = tpu.memref_slice %arg3[%add3A_29] : memref<321536xi32, #tpu.memory_space<hbm>> -> memref<128xi32, #tpu.memory_space<hbm>>
          tpu.wait_dma2 semaphore(%run_scoped3A : memref<!tpu.dma_semaphore, #tpu.memory_space<semaphore_mem>>) src(%dma_wait3A_37 : memref<128xi32, #tpu.memory_space<hbm>>) dst(%arg7 : memref<128xi32, #tpu.memory_space<vmem>>)
          tpu.yield
        }) : () -> ()
        %dma_start3A = arith.constant 0 : i32
        %dma_start3A_30 = arith.constant 0 : i32
        %dma_start3A_31 = tpu.memref_slice %arg2[%dma_start3A, %dma_start3A_30] : memref<10000x128xf32, #tpu.memory_space<hbm>> -> memref<10000x128xf32, #tpu.memory_space<hbm>>
        tpu.enqueue_indirect_dma source(%dma_start3A_31 : memref<10000x128xf32, #tpu.memory_space<hbm>>) target(%arg9 : memref<128x128xf32, #tpu.memory_space<vmem>>) offsets(%arg7 : memref<128xi32, #tpu.memory_space<vmem>>) semaphore(%arg11 : memref<!tpu.dma_semaphore, #tpu.memory_space<semaphore_mem>>)
        %dma_wait3A = arith.constant 0 : i32
        %dma_wait3A_32 = arith.constant 0 : i32
        %dma_wait3A_33 = tpu.memref_slice %arg2[%dma_wait3A, %dma_wait3A_32] : memref<10000x128xf32, #tpu.memory_space<hbm>> -> memref<10000x128xf32, #tpu.memory_space<hbm>>
        tpu.wait_indirect_dma semaphore(%arg11 : memref<!tpu.dma_semaphore, #tpu.memory_space<semaphore_mem>>) src(%dma_wait3A_33 : memref<10000x128xf32, #tpu.memory_space<hbm>>) dst(%arg9 : memref<128x128xf32, #tpu.memory_space<vmem>>)
        "tpu.region"() ({
          %run_scoped3A = tpu.sem_alloc : memref<!tpu.dma_semaphore, #tpu.memory_space<semaphore_mem>>
          %dma_start3A_34 = tpu.memref_slice %arg4[%add3A_29] : memref<321536xi32, #tpu.memory_space<hbm>> -> memref<128xi32, #tpu.memory_space<hbm>>
          %dma_start3A_35 = tpu.memref_slice %arg4[%add3A_29] : memref<321536xi32, #tpu.memory_space<hbm>> -> memref<128xi32, #tpu.memory_space<hbm>>
          tpu.enqueue_dma source(%dma_start3A_35 : memref<128xi32, #tpu.memory_space<hbm>>) target(%arg8 : memref<128xi32, #tpu.memory_space<vmem>>) target_semaphore(%run_scoped3A : memref<!tpu.dma_semaphore, #tpu.memory_space<semaphore_mem>>)
          %dma_wait3A_36 = tpu.memref_slice %arg4[%add3A_29] : memref<321536xi32, #tpu.memory_space<hbm>> -> memref<128xi32, #tpu.memory_space<hbm>>
          %dma_wait3A_37 = tpu.memref_slice %arg4[%add3A_29] : memref<321536xi32, #tpu.memory_space<hbm>> -> memref<128xi32, #tpu.memory_space<hbm>>
          tpu.wait_dma2 semaphore(%run_scoped3A : memref<!tpu.dma_semaphore, #tpu.memory_space<semaphore_mem>>) src(%dma_wait3A_37 : memref<128xi32, #tpu.memory_space<hbm>>) dst(%arg8 : memref<128xi32, #tpu.memory_space<vmem>>)
          tpu.yield
        }) : () -> ()
        "tpu.region"() ({
          %run_scoped3A = tpu.sem_alloc : memref<!tpu.dma_semaphore, #tpu.memory_space<semaphore_mem>>
          %dma_start3A_34 = arith.constant 0 : i32
          %dma_start3A_35 = arith.constant 0 : i32
          %dma_start3A_36 = tpu.memref_slice %arg10[%dma_start3A_34, %dma_start3A_35] : memref<10112x128xf32, #tpu.memory_space<vmem_shared>> -> memref<10112x128xf32, #tpu.memory_space<vmem_shared>>
          tpu.enqueue_indirect_dma source(%arg9 : memref<128x128xf32, #tpu.memory_space<vmem>>) target(%dma_start3A_36 : memref<10112x128xf32, #tpu.memory_space<vmem_shared>>) offsets(%arg8 : memref<128xi32, #tpu.memory_space<vmem>>) semaphore(%run_scoped3A : memref<!tpu.dma_semaphore, #tpu.memory_space<semaphore_mem>>) {add = true}
          %dma_wait3A_37 = arith.constant 0 : i32
          %dma_wait3A_38 = arith.constant 0 : i32
          %dma_wait3A_39 = tpu.memref_slice %arg10[%dma_wait3A_37, %dma_wait3A_38] : memref<10112x128xf32, #tpu.memory_space<vmem_shared>> -> memref<10112x128xf32, #tpu.memory_space<vmem_shared>>
          tpu.wait_indirect_dma semaphore(%run_scoped3A : memref<!tpu.dma_semaphore, #tpu.memory_space<semaphore_mem>>) src(%arg9 : memref<128x128xf32, #tpu.memory_space<vmem>>) dst(%dma_wait3A_39 : memref<10112x128xf32, #tpu.memory_space<vmem_shared>>)
          tpu.yield
        }) : () -> ()
      } else {
      }
    }
    %scan3A_19 = arith.constant 79 : i32
    %barrier3A_20 = arith.constant 0 : index
    tpu.barrier barrier_id(%barrier3A_20)
    %mul3A_21 = arith.constant 632 : i32
    %mul3A_22 = arith.muli %arg1, %mul3A_21 : i32
    %mul3A_23 = arith.constant 632 : i32
    %mul3A_24 = arith.muli %arg1, %mul3A_23 : i32
    "tpu.region"() ({
      %run_scoped3A = tpu.sem_alloc : memref<!tpu.dma_semaphore, #tpu.memory_space<semaphore_mem>>
      %dma_start3A = arith.constant 0 : i32
      %dma_start3A_25 = tpu.memref_slice %arg6[%arg0, %mul3A_24, %dma_start3A] : memref<2x10112x128xf32, #tpu.memory_space<hbm>> -> memref<1x632x128xf32, #tpu.memory_space<hbm>>
      %dma_start3A_26 = tpu.memref_squeeze %dma_start3A_25 : memref<1x632x128xf32, #tpu.memory_space<hbm>> -> memref<632x128xf32, #tpu.memory_space<hbm>>
      %dma_start3A_27 = arith.constant 0 : i32
      %dma_start3A_28 = tpu.memref_slice %arg10[%mul3A_22, %dma_start3A_27] : memref<10112x128xf32, #tpu.memory_space<vmem_shared>> -> memref<632x128xf32, #tpu.memory_space<vmem_shared>>
      tpu.enqueue_dma source(%dma_start3A_28 : memref<632x128xf32, #tpu.memory_space<vmem_shared>>) target(%dma_start3A_26 : memref<632x128xf32, #tpu.memory_space<hbm>>) target_semaphore(%run_scoped3A : memref<!tpu.dma_semaphore, #tpu.memory_space<semaphore_mem>>)
      %dma_wait3A = arith.constant 0 : i32
      %dma_wait3A_29 = tpu.memref_slice %arg6[%arg0, %mul3A_24, %dma_wait3A] : memref<2x10112x128xf32, #tpu.memory_space<hbm>> -> memref<1x632x128xf32, #tpu.memory_space<hbm>>
      %dma_wait3A_30 = tpu.memref_squeeze %dma_wait3A_29 : memref<1x632x128xf32, #tpu.memory_space<hbm>> -> memref<632x128xf32, #tpu.memory_space<hbm>>
      %dma_wait3A_31 = arith.constant 0 : i32
      %dma_wait3A_32 = tpu.memref_slice %arg10[%mul3A_22, %dma_wait3A_31] : memref<10112x128xf32, #tpu.memory_space<vmem_shared>> -> memref<632x128xf32, #tpu.memory_space<vmem_shared>>
      tpu.wait_dma2 semaphore(%run_scoped3A : memref<!tpu.dma_semaphore, #tpu.memory_space<semaphore_mem>>) src(%dma_wait3A_32 : memref<632x128xf32, #tpu.memory_space<vmem_shared>>) dst(%dma_wait3A_30 : memref<632x128xf32, #tpu.memory_space<hbm>>)
      tpu.yield
    }) : () -> ()
    return
  }
}

module attributes {stable_mosaic.version = 14 : i64} {
  func.func @_embed_body(%arg0: i32, %arg1: memref<2000x1xi32, #tpu.memory_space<vmem>>, %arg2: memref<128x128xf32, #tpu.memory_space<vmem>>, %arg3: memref<128x128xf32, #tpu.memory_space<vmem>>, %arg4: memref<1x128xf32, #tpu.memory_space<vmem>>, %arg5: memref<2000x128xf32, #tpu.memory_space<vmem>>, %arg6: memref<2000x128xf32, #tpu.memory_space<vmem>>) attributes {dimension_semantics = [#tpu.dimension_semantics<arbitrary>], iteration_bounds = array<i64: 5>, scalar_prefetch = 0 : i64, scratch_operands = 0 : i64, tpu.core_type = #tpu.core_type<tc>, window_params = [{transform_indices = @transform_0, window_bounds = array<i64: 2000, 1>}, {pipeline_mode = #tpu.pipeline_mode<synchronous>, transform_indices = @transform_1, window_bounds = array<i64: 128, 128>}, {pipeline_mode = #tpu.pipeline_mode<synchronous>, transform_indices = @transform_2, window_bounds = array<i64: 128, 128>}, {pipeline_mode = #tpu.pipeline_mode<synchronous>, transform_indices = @transform_3, window_bounds = array<i64: 1, 128>}, {transform_indices = @transform_4, window_bounds = array<i64: 2000, 128>}, {transform_indices = @transform_5, window_bounds = array<i64: 2000, 128>}]} {
    %get3A = arith.constant 0 : index
    %get3A_0 = arith.constant 0 : index
    %get3A_1 = vector.load %arg1[%get3A, %get3A_0] : memref<2000x1xi32, #tpu.memory_space<vmem>>, vector<2000x1xi32>
    %iota3A = tpu.iota {dimensions = array<i32: 1>} : vector<2000x128xi32>
    %eq3A = vector.broadcast %get3A_1 : vector<2000x1xi32> to vector<2000x128xi32>
    %eq3A_2 = arith.cmpi eq, %iota3A, %eq3A : vector<2000x128xi32>
    %convert_element_type3A = arith.extui %eq3A_2 : vector<2000x128xi1> to vector<2000x128xi32>
    %convert_element_type3A_3 = arith.sitofp %convert_element_type3A : vector<2000x128xi32> to vector<2000x128xf32>
    %get3A_4 = arith.constant 0 : index
    %get3A_5 = arith.constant 0 : index
    %get3A_6 = vector.load %arg2[%get3A_4, %get3A_5] : memref<128x128xf32, #tpu.memory_space<vmem>>, vector<128x128xf32>
    %dot_general3A = arith.constant dense<0.000000e+00> : vector<2000x128xf32>
    %dot_general3A_7 = tpu.matmul %convert_element_type3A_3, %get3A_6, %dot_general3A {dimension_numbers = #tpu.dot_dimension_numbers<[1], [0], [0], [1], [0, 0, 1, 1], [], []>, precision = #tpu.contract_precision<fp32>, transpose_lhs_hint = false} : vector<2000x128xf32>, vector<128x128xf32>, vector<2000x128xf32> -> vector<2000x128xf32>
    %swap3A = arith.constant 0 : index
    %swap3A_8 = arith.constant 0 : index
    %swap3A_9 = vector.load %arg5[%swap3A, %swap3A_8] : memref<2000x128xf32, #tpu.memory_space<vmem>>, vector<2000x128xf32>
    tpu.vector_store %arg5[%swap3A, %swap3A_8], %dot_general3A_7 {strides = array<i32>} : memref<2000x128xf32, #tpu.memory_space<vmem>>, vector<2000x128xf32>,
    %get3A_10 = arith.constant 0 : index
    %get3A_11 = arith.constant 0 : index
    %get3A_12 = vector.load %arg3[%get3A_10, %get3A_11] : memref<128x128xf32, #tpu.memory_space<vmem>>, vector<128x128xf32>
    %dot_general3A_13 = arith.constant dense<0.000000e+00> : vector<2000x128xf32>
    %dot_general3A_14 = tpu.matmul %dot_general3A_7, %get3A_12, %dot_general3A_13 {dimension_numbers = #tpu.dot_dimension_numbers<[1], [0], [0], [1], [0, 0, 1, 1], [], []>, precision = #tpu.contract_precision<fp32>, transpose_lhs_hint = false} : vector<2000x128xf32>, vector<128x128xf32>, vector<2000x128xf32> -> vector<2000x128xf32>
    %get3A_15 = arith.constant 0 : index
    %get3A_16 = arith.constant 0 : index
    %get3A_17 = vector.load %arg4[%get3A_15, %get3A_16] : memref<1x128xf32, #tpu.memory_space<vmem>>, vector<1x128xf32>
    %add3A = vector.broadcast %get3A_17 : vector<1x128xf32> to vector<2000x128xf32>
    %add3A_18 = arith.addf %dot_general3A_14, %add3A : vector<2000x128xf32>
    %logistic3A = arith.negf %add3A_18 : vector<2000x128xf32>
    %logistic3A_19 = math.exp %logistic3A : vector<2000x128xf32>
    %logistic3A_20 = arith.constant 1.000000e+00 : f32
    %logistic3A_21 = vector.broadcast %logistic3A_20 : f32 to vector<2000x128xf32>
    %logistic3A_22 = arith.addf %logistic3A_21, %logistic3A_19 : vector<2000x128xf32>
    %logistic3A_23 = arith.divf %logistic3A_21, %logistic3A_22 : vector<2000x128xf32>
    %mul3A = arith.mulf %add3A_18, %logistic3A_23 : vector<2000x128xf32>
    %swap3A_24 = arith.constant 0 : index
    %swap3A_25 = arith.constant 0 : index
    %swap3A_26 = vector.load %arg6[%swap3A_24, %swap3A_25] : memref<2000x128xf32, #tpu.memory_space<vmem>>, vector<2000x128xf32>
    tpu.vector_store %arg6[%swap3A_24, %swap3A_25], %mul3A {strides = array<i32>} : memref<2000x128xf32, #tpu.memory_space<vmem>>, vector<2000x128xf32>,
    return
  }
  func.func @transform_0(%arg0: i32) -> (i32, i32) {
    %c0_i32 = arith.constant 0 : i32
    %c0_i32_0 = arith.constant 0 : i32
    return %arg0, %c0_i32 : i32, i32
  }
  func.func @transform_1(%arg0: i32) -> (i32, i32) {
    %c0_i32 = arith.constant 0 : i32
    %c0_i32_0 = arith.constant 0 : i32
    %c0_i32_1 = arith.constant 0 : i32
    return %c0_i32, %c0_i32_0 : i32, i32
  }
  func.func @transform_2(%arg0: i32) -> (i32, i32) {
    %c0_i32 = arith.constant 0 : i32
    %c0_i32_0 = arith.constant 0 : i32
    %c0_i32_1 = arith.constant 0 : i32
    return %c0_i32, %c0_i32_0 : i32, i32
  }
  func.func @transform_3(%arg0: i32) -> (i32, i32) {
    %c0_i32 = arith.constant 0 : i32
    %c0_i32_0 = arith.constant 0 : i32
    %c0_i32_1 = arith.constant 0 : i32
    return %c0_i32, %c0_i32_0 : i32, i32
  }
  func.func @transform_4(%arg0: i32) -> (i32, i32) {
    %c0_i32 = arith.constant 0 : i32
    %c0_i32_0 = arith.constant 0 : i32
    return %arg0, %c0_i32 : i32, i32
  }
  func.func @transform_5(%arg0: i32) -> (i32, i32) {
    %c0_i32 = arith.constant 0 : i32
    %c0_i32_0 = arith.constant 0 : i32
    return %arg0, %c0_i32 : i32, i32
  }
}

module attributes {stable_mosaic.version = 14 : i64} {
  func.func @_update_body(%arg0: i32, %arg1: memref<2x2000x128xf32, #tpu.memory_space<vmem>>, %arg2: memref<2000x128xf32, #tpu.memory_space<vmem>>, %arg3: memref<128x128xf32, #tpu.memory_space<vmem>>, %arg4: memref<1x128xf32, #tpu.memory_space<vmem>>, %arg5: memref<128x128xf32, #tpu.memory_space<vmem>>, %arg6: memref<1x128xf32, #tpu.memory_space<vmem>>, %arg7: memref<2000x128xf32, #tpu.memory_space<vmem>>, %arg8: memref<2000x128xf32, #tpu.memory_space<vmem>>) attributes {dimension_semantics = [#tpu.dimension_semantics<arbitrary>], iteration_bounds = array<i64: 5>, scalar_prefetch = 0 : i64, scratch_operands = 0 : i64, tpu.core_type = #tpu.core_type<tc>, window_params = [{transform_indices = @transform_0, window_bounds = array<i64: 2, 2000, 128>}, {transform_indices = @transform_1, window_bounds = array<i64: 2000, 128>}, {pipeline_mode = #tpu.pipeline_mode<synchronous>, transform_indices = @transform_2, window_bounds = array<i64: 128, 128>}, {pipeline_mode = #tpu.pipeline_mode<synchronous>, transform_indices = @transform_3, window_bounds = array<i64: 1, 128>}, {pipeline_mode = #tpu.pipeline_mode<synchronous>, transform_indices = @transform_4, window_bounds = array<i64: 128, 128>}, {pipeline_mode = #tpu.pipeline_mode<synchronous>, transform_indices = @transform_5, window_bounds = array<i64: 1, 128>}, {transform_indices = @transform_6, window_bounds = array<i64: 2000, 128>}, {transform_indices = @transform_7, window_bounds = array<i64: 2000, 128>}]} {
    %get3A = arith.constant 0 : index
    %get3A_0 = arith.constant 0 : index
    %get3A_1 = arith.constant 0 : index
    %get3A_2 = vector.load %arg1[%get3A, %get3A_0, %get3A_1] : memref<2x2000x128xf32, #tpu.memory_space<vmem>>, vector<1x2000x128xf32>
    %get3A_3 = vector.shape_cast %get3A_2 : vector<1x2000x128xf32> to vector<2000x128xf32>
    %get3A_4 = arith.constant 1 : index
    %get3A_5 = arith.constant 0 : index
    %get3A_6 = arith.constant 0 : index
    %get3A_7 = vector.load %arg1[%get3A_4, %get3A_5, %get3A_6] : memref<2x2000x128xf32, #tpu.memory_space<vmem>>, vector<1x2000x128xf32>
    %get3A_8 = vector.shape_cast %get3A_7 : vector<1x2000x128xf32> to vector<2000x128xf32>
    %add3A = arith.addf %get3A_3, %get3A_8 : vector<2000x128xf32>
    %get3A_9 = arith.constant 0 : index
    %get3A_10 = arith.constant 0 : index
    %get3A_11 = vector.load %arg3[%get3A_9, %get3A_10] : memref<128x128xf32, #tpu.memory_space<vmem>>, vector<128x128xf32>
    %dot_general3A = arith.constant dense<0.000000e+00> : vector<2000x128xf32>
    %dot_general3A_12 = tpu.matmul %add3A, %get3A_11, %dot_general3A {dimension_numbers = #tpu.dot_dimension_numbers<[1], [0], [0], [1], [0, 0, 1, 1], [], []>, precision = #tpu.contract_precision<fp32>, transpose_lhs_hint = false} : vector<2000x128xf32>, vector<128x128xf32>, vector<2000x128xf32> -> vector<2000x128xf32>
    %get3A_13 = arith.constant 0 : index
    %get3A_14 = arith.constant 0 : index
    %get3A_15 = vector.load %arg4[%get3A_13, %get3A_14] : memref<1x128xf32, #tpu.memory_space<vmem>>, vector<1x128xf32>
    %add3A_16 = vector.broadcast %get3A_15 : vector<1x128xf32> to vector<2000x128xf32>
    %add3A_17 = arith.addf %dot_general3A_12, %add3A_16 : vector<2000x128xf32>
    %logistic3A = arith.negf %add3A_17 : vector<2000x128xf32>
    %logistic3A_18 = math.exp %logistic3A : vector<2000x128xf32>
    %logistic3A_19 = arith.constant 1.000000e+00 : f32
    %logistic3A_20 = vector.broadcast %logistic3A_19 : f32 to vector<2000x128xf32>
    %logistic3A_21 = arith.addf %logistic3A_20, %logistic3A_18 : vector<2000x128xf32>
    %logistic3A_22 = arith.divf %logistic3A_20, %logistic3A_21 : vector<2000x128xf32>
    %mul3A = arith.mulf %add3A_17, %logistic3A_22 : vector<2000x128xf32>
    %get3A_23 = arith.constant 0 : index
    %get3A_24 = arith.constant 0 : index
    %get3A_25 = vector.load %arg2[%get3A_23, %get3A_24] : memref<2000x128xf32, #tpu.memory_space<vmem>>, vector<2000x128xf32>
    %add3A_26 = arith.addf %get3A_25, %mul3A : vector<2000x128xf32>
    %swap3A = arith.constant 0 : index
    %swap3A_27 = arith.constant 0 : index
    %swap3A_28 = vector.load %arg7[%swap3A, %swap3A_27] : memref<2000x128xf32, #tpu.memory_space<vmem>>, vector<2000x128xf32>
    tpu.vector_store %arg7[%swap3A, %swap3A_27], %add3A_26 {strides = array<i32>} : memref<2000x128xf32, #tpu.memory_space<vmem>>, vector<2000x128xf32>,
    %get3A_29 = arith.constant 0 : index
    %get3A_30 = arith.constant 0 : index
    %get3A_31 = vector.load %arg5[%get3A_29, %get3A_30] : memref<128x128xf32, #tpu.memory_space<vmem>>, vector<128x128xf32>
    %dot_general3A_32 = arith.constant dense<0.000000e+00> : vector<2000x128xf32>
    %dot_general3A_33 = tpu.matmul %add3A_26, %get3A_31, %dot_general3A_32 {dimension_numbers = #tpu.dot_dimension_numbers<[1], [0], [0], [1], [0, 0, 1, 1], [], []>, precision = #tpu.contract_precision<fp32>, transpose_lhs_hint = false} : vector<2000x128xf32>, vector<128x128xf32>, vector<2000x128xf32> -> vector<2000x128xf32>
    %get3A_34 = arith.constant 0 : index
    %get3A_35 = arith.constant 0 : index
    %get3A_36 = vector.load %arg6[%get3A_34, %get3A_35] : memref<1x128xf32, #tpu.memory_space<vmem>>, vector<1x128xf32>
    %add3A_37 = vector.broadcast %get3A_36 : vector<1x128xf32> to vector<2000x128xf32>
    %add3A_38 = arith.addf %dot_general3A_33, %add3A_37 : vector<2000x128xf32>
    %logistic3A_39 = arith.negf %add3A_38 : vector<2000x128xf32>
    %logistic3A_40 = math.exp %logistic3A_39 : vector<2000x128xf32>
    %logistic3A_41 = arith.constant 1.000000e+00 : f32
    %logistic3A_42 = vector.broadcast %logistic3A_41 : f32 to vector<2000x128xf32>
    %logistic3A_43 = arith.addf %logistic3A_42, %logistic3A_40 : vector<2000x128xf32>
    %logistic3A_44 = arith.divf %logistic3A_42, %logistic3A_43 : vector<2000x128xf32>
    %mul3A_45 = arith.mulf %add3A_38, %logistic3A_44 : vector<2000x128xf32>
    %swap3A_46 = arith.constant 0 : index
    %swap3A_47 = arith.constant 0 : index
    %swap3A_48 = vector.load %arg8[%swap3A_46, %swap3A_47] : memref<2000x128xf32, #tpu.memory_space<vmem>>, vector<2000x128xf32>
    tpu.vector_store %arg8[%swap3A_46, %swap3A_47], %mul3A_45 {strides = array<i32>} : memref<2000x128xf32, #tpu.memory_space<vmem>>, vector<2000x128xf32>,
    return
  }
  func.func @transform_0(%arg0: i32) -> (i32, i32, i32) {
    %c0_i32 = arith.constant 0 : i32
    %c0_i32_0 = arith.constant 0 : i32
    %c0_i32_1 = arith.constant 0 : i32
    return %c0_i32, %arg0, %c0_i32_0 : i32, i32, i32
  }
  func.func @transform_1(%arg0: i32) -> (i32, i32) {
    %c0_i32 = arith.constant 0 : i32
    %c0_i32_0 = arith.constant 0 : i32
    return %arg0, %c0_i32 : i32, i32
  }
  func.func @transform_2(%arg0: i32) -> (i32, i32) {
    %c0_i32 = arith.constant 0 : i32
    %c0_i32_0 = arith.constant 0 : i32
    %c0_i32_1 = arith.constant 0 : i32
    return %c0_i32, %c0_i32_0 : i32, i32
  }
  func.func @transform_3(%arg0: i32) -> (i32, i32) {
    %c0_i32 = arith.constant 0 : i32
    %c0_i32_0 = arith.constant 0 : i32
    %c0_i32_1 = arith.constant 0 : i32
    return %c0_i32, %c0_i32_0 : i32, i32
  }
  func.func @transform_4(%arg0: i32) -> (i32, i32) {
    %c0_i32 = arith.constant 0 : i32
    %c0_i32_0 = arith.constant 0 : i32
    %c0_i32_1 = arith.constant 0 : i32
    return %c0_i32, %c0_i32_0 : i32, i32
  }
  func.func @transform_5(%arg0: i32) -> (i32, i32) {
    %c0_i32 = arith.constant 0 : i32
    %c0_i32_0 = arith.constant 0 : i32
    %c0_i32_1 = arith.constant 0 : i32
    return %c0_i32, %c0_i32_0 : i32, i32
  }
  func.func @transform_6(%arg0: i32) -> (i32, i32) {
    %c0_i32 = arith.constant 0 : i32
    %c0_i32_0 = arith.constant 0 : i32
    return %arg0, %c0_i32 : i32, i32
  }
  func.func @transform_7(%arg0: i32) -> (i32, i32) {
    %c0_i32 = arith.constant 0 : i32
    %c0_i32_0 = arith.constant 0 : i32
    return %arg0, %c0_i32 : i32, i32
  }
}

module attributes {stable_mosaic.version = 14 : i64} {
  func.func @_update_body(%arg0: i32, %arg1: memref<2x2000x128xf32, #tpu.memory_space<vmem>>, %arg2: memref<2000x128xf32, #tpu.memory_space<vmem>>, %arg3: memref<128x128xf32, #tpu.memory_space<vmem>>, %arg4: memref<1x128xf32, #tpu.memory_space<vmem>>, %arg5: memref<128x128xf32, #tpu.memory_space<vmem>>, %arg6: memref<1x128xf32, #tpu.memory_space<vmem>>, %arg7: memref<2000x128xf32, #tpu.memory_space<vmem>>, %arg8: memref<2000x128xf32, #tpu.memory_space<vmem>>) attributes {dimension_semantics = [#tpu.dimension_semantics<arbitrary>], iteration_bounds = array<i64: 5>, scalar_prefetch = 0 : i64, scratch_operands = 0 : i64, tpu.core_type = #tpu.core_type<tc>, window_params = [{transform_indices = @transform_0, window_bounds = array<i64: 2, 2000, 128>}, {transform_indices = @transform_1, window_bounds = array<i64: 2000, 128>}, {pipeline_mode = #tpu.pipeline_mode<synchronous>, transform_indices = @transform_2, window_bounds = array<i64: 128, 128>}, {pipeline_mode = #tpu.pipeline_mode<synchronous>, transform_indices = @transform_3, window_bounds = array<i64: 1, 128>}, {pipeline_mode = #tpu.pipeline_mode<synchronous>, transform_indices = @transform_4, window_bounds = array<i64: 128, 128>}, {pipeline_mode = #tpu.pipeline_mode<synchronous>, transform_indices = @transform_5, window_bounds = array<i64: 1, 128>}, {transform_indices = @transform_6, window_bounds = array<i64: 2000, 128>}, {transform_indices = @transform_7, window_bounds = array<i64: 2000, 128>}]} {
    %get3A = arith.constant 0 : index
    %get3A_0 = arith.constant 0 : index
    %get3A_1 = arith.constant 0 : index
    %get3A_2 = vector.load %arg1[%get3A, %get3A_0, %get3A_1] : memref<2x2000x128xf32, #tpu.memory_space<vmem>>, vector<1x2000x128xf32>
    %get3A_3 = vector.shape_cast %get3A_2 : vector<1x2000x128xf32> to vector<2000x128xf32>
    %get3A_4 = arith.constant 1 : index
    %get3A_5 = arith.constant 0 : index
    %get3A_6 = arith.constant 0 : index
    %get3A_7 = vector.load %arg1[%get3A_4, %get3A_5, %get3A_6] : memref<2x2000x128xf32, #tpu.memory_space<vmem>>, vector<1x2000x128xf32>
    %get3A_8 = vector.shape_cast %get3A_7 : vector<1x2000x128xf32> to vector<2000x128xf32>
    %add3A = arith.addf %get3A_3, %get3A_8 : vector<2000x128xf32>
    %get3A_9 = arith.constant 0 : index
    %get3A_10 = arith.constant 0 : index
    %get3A_11 = vector.load %arg3[%get3A_9, %get3A_10] : memref<128x128xf32, #tpu.memory_space<vmem>>, vector<128x128xf32>
    %dot_general3A = arith.constant dense<0.000000e+00> : vector<2000x128xf32>
    %dot_general3A_12 = tpu.matmul %add3A, %get3A_11, %dot_general3A {dimension_numbers = #tpu.dot_dimension_numbers<[1], [0], [0], [1], [0, 0, 1, 1], [], []>, precision = #tpu.contract_precision<fp32>, transpose_lhs_hint = false} : vector<2000x128xf32>, vector<128x128xf32>, vector<2000x128xf32> -> vector<2000x128xf32>
    %get3A_13 = arith.constant 0 : index
    %get3A_14 = arith.constant 0 : index
    %get3A_15 = vector.load %arg4[%get3A_13, %get3A_14] : memref<1x128xf32, #tpu.memory_space<vmem>>, vector<1x128xf32>
    %add3A_16 = vector.broadcast %get3A_15 : vector<1x128xf32> to vector<2000x128xf32>
    %add3A_17 = arith.addf %dot_general3A_12, %add3A_16 : vector<2000x128xf32>
    %logistic3A = arith.negf %add3A_17 : vector<2000x128xf32>
    %logistic3A_18 = math.exp %logistic3A : vector<2000x128xf32>
    %logistic3A_19 = arith.constant 1.000000e+00 : f32
    %logistic3A_20 = vector.broadcast %logistic3A_19 : f32 to vector<2000x128xf32>
    %logistic3A_21 = arith.addf %logistic3A_20, %logistic3A_18 : vector<2000x128xf32>
    %logistic3A_22 = arith.divf %logistic3A_20, %logistic3A_21 : vector<2000x128xf32>
    %mul3A = arith.mulf %add3A_17, %logistic3A_22 : vector<2000x128xf32>
    %get3A_23 = arith.constant 0 : index
    %get3A_24 = arith.constant 0 : index
    %get3A_25 = vector.load %arg2[%get3A_23, %get3A_24] : memref<2000x128xf32, #tpu.memory_space<vmem>>, vector<2000x128xf32>
    %add3A_26 = arith.addf %get3A_25, %mul3A : vector<2000x128xf32>
    %swap3A = arith.constant 0 : index
    %swap3A_27 = arith.constant 0 : index
    %swap3A_28 = vector.load %arg7[%swap3A, %swap3A_27] : memref<2000x128xf32, #tpu.memory_space<vmem>>, vector<2000x128xf32>
    tpu.vector_store %arg7[%swap3A, %swap3A_27], %add3A_26 {strides = array<i32>} : memref<2000x128xf32, #tpu.memory_space<vmem>>, vector<2000x128xf32>,
    %get3A_29 = arith.constant 0 : index
    %get3A_30 = arith.constant 0 : index
    %get3A_31 = vector.load %arg5[%get3A_29, %get3A_30] : memref<128x128xf32, #tpu.memory_space<vmem>>, vector<128x128xf32>
    %dot_general3A_32 = arith.constant dense<0.000000e+00> : vector<2000x128xf32>
    %dot_general3A_33 = tpu.matmul %add3A_26, %get3A_31, %dot_general3A_32 {dimension_numbers = #tpu.dot_dimension_numbers<[1], [0], [0], [1], [0, 0, 1, 1], [], []>, precision = #tpu.contract_precision<fp32>, transpose_lhs_hint = false} : vector<2000x128xf32>, vector<128x128xf32>, vector<2000x128xf32> -> vector<2000x128xf32>
    %get3A_34 = arith.constant 0 : index
    %get3A_35 = arith.constant 0 : index
    %get3A_36 = vector.load %arg6[%get3A_34, %get3A_35] : memref<1x128xf32, #tpu.memory_space<vmem>>, vector<1x128xf32>
    %add3A_37 = vector.broadcast %get3A_36 : vector<1x128xf32> to vector<2000x128xf32>
    %add3A_38 = arith.addf %dot_general3A_33, %add3A_37 : vector<2000x128xf32>
    %logistic3A_39 = arith.negf %add3A_38 : vector<2000x128xf32>
    %logistic3A_40 = math.exp %logistic3A_39 : vector<2000x128xf32>
    %logistic3A_41 = arith.constant 1.000000e+00 : f32
    %logistic3A_42 = vector.broadcast %logistic3A_41 : f32 to vector<2000x128xf32>
    %logistic3A_43 = arith.addf %logistic3A_42, %logistic3A_40 : vector<2000x128xf32>
    %logistic3A_44 = arith.divf %logistic3A_42, %logistic3A_43 : vector<2000x128xf32>
    %mul3A_45 = arith.mulf %add3A_38, %logistic3A_44 : vector<2000x128xf32>
    %swap3A_46 = arith.constant 0 : index
    %swap3A_47 = arith.constant 0 : index
    %swap3A_48 = vector.load %arg8[%swap3A_46, %swap3A_47] : memref<2000x128xf32, #tpu.memory_space<vmem>>, vector<2000x128xf32>
    tpu.vector_store %arg8[%swap3A_46, %swap3A_47], %mul3A_45 {strides = array<i32>} : memref<2000x128xf32, #tpu.memory_space<vmem>>, vector<2000x128xf32>,
    return
  }
  func.func @transform_0(%arg0: i32) -> (i32, i32, i32) {
    %c0_i32 = arith.constant 0 : i32
    %c0_i32_0 = arith.constant 0 : i32
    %c0_i32_1 = arith.constant 0 : i32
    return %c0_i32, %arg0, %c0_i32_0 : i32, i32, i32
  }
  func.func @transform_1(%arg0: i32) -> (i32, i32) {
    %c0_i32 = arith.constant 0 : i32
    %c0_i32_0 = arith.constant 0 : i32
    return %arg0, %c0_i32 : i32, i32
  }
  func.func @transform_2(%arg0: i32) -> (i32, i32) {
    %c0_i32 = arith.constant 0 : i32
    %c0_i32_0 = arith.constant 0 : i32
    %c0_i32_1 = arith.constant 0 : i32
    return %c0_i32, %c0_i32_0 : i32, i32
  }
  func.func @transform_3(%arg0: i32) -> (i32, i32) {
    %c0_i32 = arith.constant 0 : i32
    %c0_i32_0 = arith.constant 0 : i32
    %c0_i32_1 = arith.constant 0 : i32
    return %c0_i32, %c0_i32_0 : i32, i32
  }
  func.func @transform_4(%arg0: i32) -> (i32, i32) {
    %c0_i32 = arith.constant 0 : i32
    %c0_i32_0 = arith.constant 0 : i32
    %c0_i32_1 = arith.constant 0 : i32
    return %c0_i32, %c0_i32_0 : i32, i32
  }
  func.func @transform_5(%arg0: i32) -> (i32, i32) {
    %c0_i32 = arith.constant 0 : i32
    %c0_i32_0 = arith.constant 0 : i32
    %c0_i32_1 = arith.constant 0 : i32
    return %c0_i32, %c0_i32_0 : i32, i32
  }
  func.func @transform_6(%arg0: i32) -> (i32, i32) {
    %c0_i32 = arith.constant 0 : i32
    %c0_i32_0 = arith.constant 0 : i32
    return %arg0, %c0_i32 : i32, i32
  }
  func.func @transform_7(%arg0: i32) -> (i32, i32) {
    %c0_i32 = arith.constant 0 : i32
    %c0_i32_0 = arith.constant 0 : i32
    return %arg0, %c0_i32 : i32, i32
  }
}

module attributes {stable_mosaic.version = 14 : i64} {
  func.func @_dens_body(%arg0: i32, %arg1: memref<2000x128xf32, #tpu.memory_space<vmem>>, %arg2: memref<128x16xf32, #tpu.memory_space<vmem>>, %arg3: memref<1x16xf32, #tpu.memory_space<vmem>>, %arg4: memref<2000x8xf32, #tpu.memory_space<vmem>>, %arg5: memref<8x512xf32, #tpu.memory_space<vmem>>, %arg6: memref<1x8xf32, #tpu.memory_space<vmem>>, %arg7: memref<1x512xf32, #tpu.memory_space<vmem>>) attributes {dimension_semantics = [#tpu.dimension_semantics<arbitrary>], iteration_bounds = array<i64: 5>, scalar_prefetch = 0 : i64, scratch_operands = 0 : i64, tpu.core_type = #tpu.core_type<tc>, window_params = [{transform_indices = @transform_0, window_bounds = array<i64: 2000, 128>}, {pipeline_mode = #tpu.pipeline_mode<synchronous>, transform_indices = @transform_1, window_bounds = array<i64: 128, 16>}, {pipeline_mode = #tpu.pipeline_mode<synchronous>, transform_indices = @transform_2, window_bounds = array<i64: 1, 16>}, {transform_indices = @transform_3, window_bounds = array<i64: 2000, 8>}, {pipeline_mode = #tpu.pipeline_mode<synchronous>, transform_indices = @transform_4, window_bounds = array<i64: 8, 512>}, {pipeline_mode = #tpu.pipeline_mode<synchronous>, transform_indices = @transform_5, window_bounds = array<i64: 1, 8>}, {pipeline_mode = #tpu.pipeline_mode<synchronous>, transform_indices = @transform_6, window_bounds = array<i64: 1, 512>}]} {
    %get3A = arith.constant 0 : index
    %get3A_0 = arith.constant 0 : index
    %get3A_1 = vector.load %arg1[%get3A, %get3A_0] : memref<2000x128xf32, #tpu.memory_space<vmem>>, vector<2000x128xf32>
    %get3A_2 = arith.constant 0 : index
    %get3A_3 = arith.constant 0 : index
    %get3A_4 = vector.load %arg2[%get3A_2, %get3A_3] : memref<128x16xf32, #tpu.memory_space<vmem>>, vector<128x16xf32>
    %dot_general3A = arith.constant dense<0.000000e+00> : vector<2000x16xf32>
    %dot_general3A_5 = tpu.matmul %get3A_1, %get3A_4, %dot_general3A {dimension_numbers = #tpu.dot_dimension_numbers<[1], [0], [0], [1], [0, 0, 1, 1], [], []>, precision = #tpu.contract_precision<fp32>, transpose_lhs_hint = false} : vector<2000x128xf32>, vector<128x16xf32>, vector<2000x16xf32> -> vector<2000x16xf32>
    %get3A_6 = arith.constant 0 : index
    %get3A_7 = arith.constant 0 : index
    %get3A_8 = vector.load %arg3[%get3A_6, %get3A_7] : memref<1x16xf32, #tpu.memory_space<vmem>>, vector<1x16xf32>
    %add3A = vector.broadcast %get3A_8 : vector<1x16xf32> to vector<2000x16xf32>
    %add3A_9 = arith.addf %dot_general3A_5, %add3A : vector<2000x16xf32>
    %get3A_10 = arith.constant 0 : index
    %get3A_11 = arith.constant 0 : index
    %get3A_12 = vector.load %arg4[%get3A_10, %get3A_11] : memref<2000x8xf32, #tpu.memory_space<vmem>>, vector<2000x8xf32>
    %get3A_13 = arith.constant 0 : index
    %get3A_14 = arith.constant 0 : index
    %get3A_15 = vector.load %arg5[%get3A_13, %get3A_14] : memref<8x512xf32, #tpu.memory_space<vmem>>, vector<8x512xf32>
    %get3A_16 = arith.constant 0 : index
    %get3A_17 = arith.constant 0 : index
    %get3A_18 = vector.load %arg6[%get3A_16, %get3A_17] : memref<1x8xf32, #tpu.memory_space<vmem>>, vector<1x8xf32>
    %slice3A = vector.extract_strided_slice %get3A_12 {offsets = [0, 0], sizes = [2000, 1], strides = [1, 1]} : vector<2000x8xf32> to vector<2000x1xf32>
    %slice3A_19 = vector.extract_strided_slice %get3A_15 {offsets = [0, 0], sizes = [1, 512], strides = [1, 1]} : vector<8x512xf32> to vector<1x512xf32>
    %sub3A = vector.broadcast %slice3A : vector<2000x1xf32> to vector<2000x512xf32>
    %sub3A_20 = vector.broadcast %slice3A_19 : vector<1x512xf32> to vector<2000x512xf32>
    %sub3A_21 = arith.subf %sub3A, %sub3A_20 : vector<2000x512xf32>
    %slice3A_22 = vector.extract_strided_slice %get3A_12 {offsets = [0, 1], sizes = [2000, 1], strides = [1, 1]} : vector<2000x8xf32> to vector<2000x1xf32>
    %slice3A_23 = vector.extract_strided_slice %get3A_15 {offsets = [1, 0], sizes = [1, 512], strides = [1, 1]} : vector<8x512xf32> to vector<1x512xf32>
    %sub3A_24 = vector.broadcast %slice3A_22 : vector<2000x1xf32> to vector<2000x512xf32>
    %sub3A_25 = vector.broadcast %slice3A_23 : vector<1x512xf32> to vector<2000x512xf32>
    %sub3A_26 = arith.subf %sub3A_24, %sub3A_25 : vector<2000x512xf32>
    %slice3A_27 = vector.extract_strided_slice %get3A_12 {offsets = [0, 2], sizes = [2000, 1], strides = [1, 1]} : vector<2000x8xf32> to vector<2000x1xf32>
    %slice3A_28 = vector.extract_strided_slice %get3A_15 {offsets = [2, 0], sizes = [1, 512], strides = [1, 1]} : vector<8x512xf32> to vector<1x512xf32>
    %sub3A_29 = vector.broadcast %slice3A_27 : vector<2000x1xf32> to vector<2000x512xf32>
    %sub3A_30 = vector.broadcast %slice3A_28 : vector<1x512xf32> to vector<2000x512xf32>
    %sub3A_31 = arith.subf %sub3A_29, %sub3A_30 : vector<2000x512xf32>
    %mul3A = arith.mulf %sub3A_21, %sub3A_21 : vector<2000x512xf32>
    %mul3A_32 = arith.mulf %sub3A_26, %sub3A_26 : vector<2000x512xf32>
    %add3A_33 = arith.addf %mul3A, %mul3A_32 : vector<2000x512xf32>
    %mul3A_34 = arith.mulf %sub3A_31, %sub3A_31 : vector<2000x512xf32>
    %add3A_35 = arith.addf %add3A_33, %mul3A_34 : vector<2000x512xf32>
    %broadcast_in_dim3A = arith.constant 0.000000e+00 : f32
    %broadcast_in_dim3A_36 = vector.broadcast %broadcast_in_dim3A : f32 to vector<2000x512xf32>
    %slice3A_37 = vector.extract_strided_slice %add3A_9 {offsets = [0, 0], sizes = [2000, 1], strides = [1, 1]} : vector<2000x16xf32> to vector<2000x1xf32>
    %slice3A_38 = vector.extract_strided_slice %get3A_18 {offsets = [0, 0], sizes = [1, 1], strides = [1, 1]} : vector<1x8xf32> to vector<1x1xf32>
    %abs3A = math.absf %slice3A_38 : vector<1x1xf32>
    %neg3A = arith.constant 0.000000e+00 : f32
    %neg3A_39 = vector.broadcast %neg3A : f32 to vector<1x1xf32>
    %neg3A_40 = arith.subf %neg3A_39, %abs3A : vector<1x1xf32>
    %mul3A_41 = vector.broadcast %neg3A_40 : vector<1x1xf32> to vector<2000x512xf32>
    %mul3A_42 = arith.mulf %add3A_35, %mul3A_41 : vector<2000x512xf32>
    %exp3A = math.exp %mul3A_42 : vector<2000x512xf32>
    %mul3A_43 = vector.broadcast %slice3A_37 : vector<2000x1xf32> to vector<2000x512xf32>
    %mul3A_44 = arith.mulf %mul3A_43, %exp3A : vector<2000x512xf32>
    %add3A_45 = arith.addf %broadcast_in_dim3A_36, %mul3A_44 : vector<2000x512xf32>
    %slice3A_46 = vector.extract_strided_slice %add3A_9 {offsets = [0, 1], sizes = [2000, 1], strides = [1, 1]} : vector<2000x16xf32> to vector<2000x1xf32>
    %slice3A_47 = vector.extract_strided_slice %get3A_18 {offsets = [0, 1], sizes = [1, 1], strides = [1, 1]} : vector<1x8xf32> to vector<1x1xf32>
    %abs3A_48 = math.absf %slice3A_47 : vector<1x1xf32>
    %neg3A_49 = arith.constant 0.000000e+00 : f32
    %neg3A_50 = vector.broadcast %neg3A_49 : f32 to vector<1x1xf32>
    %neg3A_51 = arith.subf %neg3A_50, %abs3A_48 : vector<1x1xf32>
    %mul3A_52 = vector.broadcast %neg3A_51 : vector<1x1xf32> to vector<2000x512xf32>
    %mul3A_53 = arith.mulf %add3A_35, %mul3A_52 : vector<2000x512xf32>
    %exp3A_54 = math.exp %mul3A_53 : vector<2000x512xf32>
    %mul3A_55 = vector.broadcast %slice3A_46 : vector<2000x1xf32> to vector<2000x512xf32>
    %mul3A_56 = arith.mulf %mul3A_55, %exp3A_54 : vector<2000x512xf32>
    %add3A_57 = arith.addf %add3A_45, %mul3A_56 : vector<2000x512xf32>
    %slice3A_58 = vector.extract_strided_slice %add3A_9 {offsets = [0, 2], sizes = [2000, 1], strides = [1, 1]} : vector<2000x16xf32> to vector<2000x1xf32>
    %slice3A_59 = vector.extract_strided_slice %get3A_18 {offsets = [0, 2], sizes = [1, 1], strides = [1, 1]} : vector<1x8xf32> to vector<1x1xf32>
    %abs3A_60 = math.absf %slice3A_59 : vector<1x1xf32>
    %neg3A_61 = arith.constant 0.000000e+00 : f32
    %neg3A_62 = vector.broadcast %neg3A_61 : f32 to vector<1x1xf32>
    %neg3A_63 = arith.subf %neg3A_62, %abs3A_60 : vector<1x1xf32>
    %mul3A_64 = vector.broadcast %neg3A_63 : vector<1x1xf32> to vector<2000x512xf32>
    %mul3A_65 = arith.mulf %add3A_35, %mul3A_64 : vector<2000x512xf32>
    %exp3A_66 = math.exp %mul3A_65 : vector<2000x512xf32>
    %mul3A_67 = vector.broadcast %slice3A_58 : vector<2000x1xf32> to vector<2000x512xf32>
    %mul3A_68 = arith.mulf %mul3A_67, %exp3A_66 : vector<2000x512xf32>
    %add3A_69 = arith.addf %add3A_57, %mul3A_68 : vector<2000x512xf32>
    %slice3A_70 = vector.extract_strided_slice %add3A_9 {offsets = [0, 3], sizes = [2000, 1], strides = [1, 1]} : vector<2000x16xf32> to vector<2000x1xf32>
    %slice3A_71 = vector.extract_strided_slice %get3A_18 {offsets = [0, 3], sizes = [1, 1], strides = [1, 1]} : vector<1x8xf32> to vector<1x1xf32>
    %abs3A_72 = math.absf %slice3A_71 : vector<1x1xf32>
    %neg3A_73 = arith.constant 0.000000e+00 : f32
    %neg3A_74 = vector.broadcast %neg3A_73 : f32 to vector<1x1xf32>
    %neg3A_75 = arith.subf %neg3A_74, %abs3A_72 : vector<1x1xf32>
    %mul3A_76 = vector.broadcast %neg3A_75 : vector<1x1xf32> to vector<2000x512xf32>
    %mul3A_77 = arith.mulf %add3A_35, %mul3A_76 : vector<2000x512xf32>
    %exp3A_78 = math.exp %mul3A_77 : vector<2000x512xf32>
    %mul3A_79 = vector.broadcast %slice3A_70 : vector<2000x1xf32> to vector<2000x512xf32>
    %mul3A_80 = arith.mulf %mul3A_79, %exp3A_78 : vector<2000x512xf32>
    %add3A_81 = arith.addf %add3A_69, %mul3A_80 : vector<2000x512xf32>
    %slice3A_82 = vector.extract_strided_slice %add3A_9 {offsets = [0, 4], sizes = [2000, 3], strides = [1, 1]} : vector<2000x16xf32> to vector<2000x3xf32>
    %slice3A_83 = vector.extract_strided_slice %get3A_15 {offsets = [0, 0], sizes = [3, 512], strides = [1, 1]} : vector<8x512xf32> to vector<3x512xf32>
    %dot_general3A_84 = arith.constant dense<0.000000e+00> : vector<2000x512xf32>
    %dot_general3A_85 = tpu.matmul %slice3A_82, %slice3A_83, %dot_general3A_84 {dimension_numbers = #tpu.dot_dimension_numbers<[1], [0], [0], [1], [0, 0, 1, 1], [], []>, precision = #tpu.contract_precision<fp32>, transpose_lhs_hint = false} : vector<2000x3xf32>, vector<3x512xf32>, vector<2000x512xf32> -> vector<2000x512xf32>
    %slice3A_86 = vector.extract_strided_slice %get3A_12 {offsets = [0, 0], sizes = [2000, 3], strides = [1, 1]} : vector<2000x8xf32> to vector<2000x3xf32>
    %mul3A_87 = arith.mulf %slice3A_82, %slice3A_86 : vector<2000x3xf32>
    %reduce_sum3A = arith.constant dense<0.000000e+00> : vector<2000xf32>
    %reduce_sum3A_88 = vector.multi_reduction <add>, %mul3A_87, %reduce_sum3A [1] : vector<2000x3xf32> to vector<2000xf32>
    %broadcast_in_dim3A_89 = vector.shape_cast %reduce_sum3A_88 : vector<2000xf32> to vector<2000x1xf32>
    %sub3A_90 = vector.broadcast %broadcast_in_dim3A_89 : vector<2000x1xf32> to vector<2000x512xf32>
    %sub3A_91 = arith.subf %dot_general3A_85, %sub3A_90 : vector<2000x512xf32>
    %slice3A_92 = vector.extract_strided_slice %get3A_18 {offsets = [0, 4], sizes = [1, 1], strides = [1, 1]} : vector<1x8xf32> to vector<1x1xf32>
    %abs3A_93 = math.absf %slice3A_92 : vector<1x1xf32>
    %neg3A_94 = arith.constant 0.000000e+00 : f32
    %neg3A_95 = vector.broadcast %neg3A_94 : f32 to vector<1x1xf32>
    %neg3A_96 = arith.subf %neg3A_95, %abs3A_93 : vector<1x1xf32>
    %mul3A_97 = vector.broadcast %neg3A_96 : vector<1x1xf32> to vector<2000x512xf32>
    %mul3A_98 = arith.mulf %add3A_35, %mul3A_97 : vector<2000x512xf32>
    %exp3A_99 = math.exp %mul3A_98 : vector<2000x512xf32>
    %mul3A_100 = arith.mulf %sub3A_91, %exp3A_99 : vector<2000x512xf32>
    %add3A_101 = arith.addf %add3A_81, %mul3A_100 : vector<2000x512xf32>
    %slice3A_102 = vector.extract_strided_slice %add3A_9 {offsets = [0, 7], sizes = [2000, 3], strides = [1, 1]} : vector<2000x16xf32> to vector<2000x3xf32>
    %slice3A_103 = vector.extract_strided_slice %get3A_15 {offsets = [0, 0], sizes = [3, 512], strides = [1, 1]} : vector<8x512xf32> to vector<3x512xf32>
    %dot_general3A_104 = arith.constant dense<0.000000e+00> : vector<2000x512xf32>
    %dot_general3A_105 = tpu.matmul %slice3A_102, %slice3A_103, %dot_general3A_104 {dimension_numbers = #tpu.dot_dimension_numbers<[1], [0], [0], [1], [0, 0, 1, 1], [], []>, precision = #tpu.contract_precision<fp32>, transpose_lhs_hint = false} : vector<2000x3xf32>, vector<3x512xf32>, vector<2000x512xf32> -> vector<2000x512xf32>
    %slice3A_106 = vector.extract_strided_slice %get3A_12 {offsets = [0, 0], sizes = [2000, 3], strides = [1, 1]} : vector<2000x8xf32> to vector<2000x3xf32>
    %mul3A_107 = arith.mulf %slice3A_102, %slice3A_106 : vector<2000x3xf32>
    %reduce_sum3A_108 = arith.constant dense<0.000000e+00> : vector<2000xf32>
    %reduce_sum3A_109 = vector.multi_reduction <add>, %mul3A_107, %reduce_sum3A_108 [1] : vector<2000x3xf32> to vector<2000xf32>
    %broadcast_in_dim3A_110 = vector.shape_cast %reduce_sum3A_109 : vector<2000xf32> to vector<2000x1xf32>
    %sub3A_111 = vector.broadcast %broadcast_in_dim3A_110 : vector<2000x1xf32> to vector<2000x512xf32>
    %sub3A_112 = arith.subf %dot_general3A_105, %sub3A_111 : vector<2000x512xf32>
    %slice3A_113 = vector.extract_strided_slice %get3A_18 {offsets = [0, 5], sizes = [1, 1], strides = [1, 1]} : vector<1x8xf32> to vector<1x1xf32>
    %abs3A_114 = math.absf %slice3A_113 : vector<1x1xf32>
    %neg3A_115 = arith.constant 0.000000e+00 : f32
    %neg3A_116 = vector.broadcast %neg3A_115 : f32 to vector<1x1xf32>
    %neg3A_117 = arith.subf %neg3A_116, %abs3A_114 : vector<1x1xf32>
    %mul3A_118 = vector.broadcast %neg3A_117 : vector<1x1xf32> to vector<2000x512xf32>
    %mul3A_119 = arith.mulf %add3A_35, %mul3A_118 : vector<2000x512xf32>
    %exp3A_120 = math.exp %mul3A_119 : vector<2000x512xf32>
    %mul3A_121 = arith.mulf %sub3A_112, %exp3A_120 : vector<2000x512xf32>
    %add3A_122 = arith.addf %add3A_101, %mul3A_121 : vector<2000x512xf32>
    %reduce_sum3A_123 = arith.constant dense<0.000000e+00> : vector<512xf32>
    %reduce_sum3A_124 = vector.multi_reduction <add>, %add3A_122, %reduce_sum3A_123 [0] : vector<2000x512xf32> to vector<512xf32>
    %broadcast_in_dim3A_125 = vector.shape_cast %reduce_sum3A_124 : vector<512xf32> to vector<1x512xf32>
    %eq3A = arith.constant 0 : i32
    %eq3A_126 = arith.cmpi eq, %arg0, %eq3A : i32
    %convert_element_type3A = arith.extui %eq3A_126 : i1 to i32
    %cond3A = arith.constant 0 : i32
    %cond3A_127 = arith.cmpi ne, %convert_element_type3A, %cond3A : i32
    scf.if %cond3A_127 {
      %broadcast_in_dim3A_134 = arith.constant 0.000000e+00 : f32
      %broadcast_in_dim3A_135 = vector.broadcast %broadcast_in_dim3A_134 : f32 to vector<1x512xf32>
      %swap3A_136 = arith.constant 0 : index
      %swap3A_137 = arith.constant 0 : index
      %swap3A_138 = vector.load %arg7[%swap3A_136, %swap3A_137] : memref<1x512xf32, #tpu.memory_space<vmem>>, vector<1x512xf32>
      tpu.vector_store %arg7[%swap3A_136, %swap3A_137], %broadcast_in_dim3A_135 {strides = array<i32>} : memref<1x512xf32, #tpu.memory_space<vmem>>, vector<1x512xf32>,
    } else {
    }
    %get3A_128 = arith.constant 0 : index
    %get3A_129 = arith.constant 0 : index
    %get3A_130 = vector.load %arg7[%get3A_128, %get3A_129] : memref<1x512xf32, #tpu.memory_space<vmem>>, vector<1x512xf32>
    %add3A_131 = arith.addf %get3A_130, %broadcast_in_dim3A_125 : vector<1x512xf32>
    %swap3A = arith.constant 0 : index
    %swap3A_132 = arith.constant 0 : index
    %swap3A_133 = vector.load %arg7[%swap3A, %swap3A_132] : memref<1x512xf32, #tpu.memory_space<vmem>>, vector<1x512xf32>
    tpu.vector_store %arg7[%swap3A, %swap3A_132], %add3A_131 {strides = array<i32>} : memref<1x512xf32, #tpu.memory_space<vmem>>, vector<1x512xf32>,
    return
  }
  func.func @transform_0(%arg0: i32) -> (i32, i32) {
    %c0_i32 = arith.constant 0 : i32
    %c0_i32_0 = arith.constant 0 : i32
    return %arg0, %c0_i32 : i32, i32
  }
  func.func @transform_1(%arg0: i32) -> (i32, i32) {
    %c0_i32 = arith.constant 0 : i32
    %c0_i32_0 = arith.constant 0 : i32
    %c0_i32_1 = arith.constant 0 : i32
    return %c0_i32, %c0_i32_0 : i32, i32
  }
  func.func @transform_2(%arg0: i32) -> (i32, i32) {
    %c0_i32 = arith.constant 0 : i32
    %c0_i32_0 = arith.constant 0 : i32
    %c0_i32_1 = arith.constant 0 : i32
    return %c0_i32, %c0_i32_0 : i32, i32
  }
  func.func @transform_3(%arg0: i32) -> (i32, i32) {
    %c0_i32 = arith.constant 0 : i32
    %c0_i32_0 = arith.constant 0 : i32
    return %arg0, %c0_i32 : i32, i32
  }
  func.func @transform_4(%arg0: i32) -> (i32, i32) {
    %c0_i32 = arith.constant 0 : i32
    %c0_i32_0 = arith.constant 0 : i32
    %c0_i32_1 = arith.constant 0 : i32
    return %c0_i32, %c0_i32_0 : i32, i32
  }
  func.func @transform_5(%arg0: i32) -> (i32, i32) {
    %c0_i32 = arith.constant 0 : i32
    %c0_i32_0 = arith.constant 0 : i32
    %c0_i32_1 = arith.constant 0 : i32
    return %c0_i32, %c0_i32_0 : i32, i32
  }
  func.func @transform_6(%arg0: i32) -> (i32, i32) {
    %c0_i32 = arith.constant 0 : i32
    %c0_i32_0 = arith.constant 0 : i32
    %c0_i32_1 = arith.constant 0 : i32
    return %c0_i32, %c0_i32_0 : i32, i32
  }
}

</mosaic_0001>

<sc_bundles>
// kernel: kernel.10.cloned.1.call-start
scs
__scs_entry_jumppad:
0x0: {  	(pc) =	sbr.rel $0x88, $3  }
0x1: {  	(tag) =	ssettag $0x0;
	lr =	simm.s32 $0x1  }
0x2: {  	[smem:$0x3F8F] =	sst lr;
	_ =	strace $0xD0000000  }
0x3: {  	_ = 	snop  }
0x4: {  	_ = 	snop  }
0x5: {  	_ = 	snop  }
0x6: {  	_ = 	snop  }
0x7: {  	_ = 	snop  }
__scs_overlays_trampoline_lowered:
0x8: {  	[smem:$0x3F9E] =	sst s0  }
0x9: {  	[smem:$0x3F9F] =	sst s1  }
0xa: {  	[smem:$0x3FA0] =	sst s2  }
0xb: {  	[smem:$0x3FA1] =	sst s3  }
0xc: {  	[smem:$0x3FA2] =	sst s4  }
0xd: {  	[smem:$0x3FA3] =	sst s5  }
0xe: {  	[smem:$0x3FA4] =	sst s6  }
0xf: {  	[smem:$0x3FA5] =	sst s7  }
0x10: {  	[smem:$0x3FA6] =	sst s8  }
0x11: {  	[smem:$0x3FA7] =	sst s9;
	s0 =	simm.s32 @!p0 $0x0  }
0x12: {  	s1 =	sld [smem:$0x3F8D];
	s0 =	simm.s32 @p0 $0x1  }
0x13: {  	[smem:$0x3FA8] =	sst s0;
	s0 =	simm.s32 @!p1 $0x0  }
0x14: {  	s2 =	sld [smem:$0x3F8C];
	s0 =	simm.s32 @p1 $0x1  }
0x15: {  	[smem:$0x3FA9] =	sst s0;
	s0 =	simm.s32 @!p2 $0x0  }
0x16: {  	s3 =	sld [smem:$0x3FDB];
	s0 =	simm.s32 @p2 $0x1  }
0x17: {  	s4 =	simm.s32 $0x1BF5;
	[smem:$0x3FAB] =	sst s0  }
0x18: {  	s0 =	sld [smem:$0x3F8E];
	_ =	swait.ge [sflag:s4], $0x0  }
0x19: {  	s7 =	sld [smem:$0x3F8F]  }
0x1a: {  	s8 =	sadd.s32 $0xFFFFE003, lr  }
0x1b: {  	s9 =	sadd.s32 $0xFFFFFEF7, lr;
	s5 =	simm.s32 $0xFFFFFFFF;
	p2 =	slt.u32 s8, $0xFFFFF086  }
0x1c: {  	p1 =	slt.u32 s9, $0xF7A;
	s5 =	simm.s32 @!p2 $0x0  }
0x1d: {  	s5 =	simm.s32 @p1 $0x1;
	p0 =	seq.s32 s7, s2  }
0x1e: {  	s7 =	smul.u32 @!p0 $0xF7A, s2;
	p2 =	seq.s32 @!p0 s5, $0x0  }
0x1f: {  	s9 =	smul.u32 $0xF7A, s1;
	s8 =	simm.s32 @!p0 $0x1BF5;
	p2 =	por !p2, p0  }
0x20: {  	[sflag:s8] =	ssyncset.s32 @!p0 $0xFFFFF086;
	s6 =	sadd.s32 @!p0 s3, s7;
	s7 =	simm.s32 @!p0 $0x108  }
0x21: {  	s3 =	sadd.s32 s3, s9;
	s6 =	sadd.s32 @!p0 $0x88, s6;
	s7 =	simm.s32 @p2 $0x1082  }
0x22: {  	[simem:s7], [sflag:s8] =	dma.local @!p0 [hbm:s6], $0xF7A  }
0x23: {  	s9 =	sor.u32 $0xD0000000, s2;
	s6 =	simm.s32 $0x108;
	_ =	swait.ge @!p0 [sflag:s8], $0x0  }
0x24: {  	s3 =	sadd.s32 $0x88, s3;
	s6 =	simm.s32 @!p1 $0x1082;
	[sflag:s4] =	ssyncset.s32 $0xFFFFF086  }
0x25: {  	[simem:s6], [sflag:s4] =	dma.local [hbm:s3], $0xF7A  }
0x26: {  	[smem:$0x3F8F] =	sst s1;
	(tag) =	ssettag s2;
	_ =	strace s9  }
0x27: {  	s1 =	sld [smem:$0x3F9F]  }
0x28: {  	s2 =	sld [smem:$0x3FA0]  }
0x29: {  	s4 =	sld [smem:$0x3FA2]  }
0x2a: {  	p0 =	seq.s32 s5, $0x0;
	s5 =	sld [smem:$0x3FA3]  }
0x2b: {  	s6 =	sld [smem:$0x3FA4]  }
0x2c: {  	s7 =	sld [smem:$0x3FA5]  }
0x2d: {  	s3 =	simm.s32 $0x108;
	s8 =	sld [smem:$0x3FA6]  }
0x2e: {  	s3 =	simm.s32 @!p0 $0x1082;
	s9 =	sld [smem:$0x3FA7]  }
0x2f: {  	lr =	sadd.s32 s0, s3;
	s0 =	sld [smem:$0x3F9E]  }
0x30: {  	s3 =	sld [smem:$0x3FA1]  }
0x31: {  	[smem:$0x3FAA] =	sst s10  }
0x32: {  	s10 =	sld [smem:$0x3FA8];
	_ =	sdelay $0x3  }
0x33: {  	p0 =	seq.s32 s10, $0x1;
	s10 =	sld [smem:$0x3FAA];
	_ =	sdelay $0x3  }
0x34: {  	[smem:$0x3FAA] =	sst s10  }
0x35: {  	s10 =	sld [smem:$0x3FA9];
	_ =	sdelay $0x3  }
0x36: {  	p1 =	seq.s32 s10, $0x1;
	s10 =	sld [smem:$0x3FAA];
	_ =	sdelay $0x3  }
0x37: {  	[smem:$0x3FAA] =	sst s10  }
0x38: {  	s10 =	sld [smem:$0x3FAB]  }
0x39: {  	_ = 	snop;
	(pc) =	sbr.ind lr, $3  }
0x3a: {  	_ = 	snop  }
0x3b: {  	_ = 	snop  }
0x3c: {  	p2 =	seq.s32 s10, $0x1;
	s10 =	sld [smem:$0x3FAA]  }
0x3d: {  	_ =	shalt  }
0x3e: {  	_ =	shalt  }
0x3f: {  	_ =	shalt  }
0x40: {  	_ =	shalt  }
0x41: {  	_ =	shalt  }
0x42: {  	_ =	shalt  }
0x43: {  	_ =	shalt  }
0x44: {  	_ =	shalt  }
0x45: {  	_ =	shalt  }
0x46: {  	_ =	shalt  }
0x47: {  	_ =	shalt  }
0x48: {  	_ =	shalt  }
0x49: {  	_ =	shalt  }
0x4a: {  	_ =	shalt  }
0x4b: {  	_ =	shalt  }
0x4c: {  	_ =	shalt  }
0x4d: {  	_ =	shalt  }
0x4e: {  	_ =	shalt  }
0x4f: {  	_ =	shalt  }
0x50: {  	_ =	shalt  }
0x51: {  	_ =	shalt  }
0x52: {  	_ =	shalt  }
0x53: {  	_ =	shalt  }
0x54: {  	_ =	shalt  }
0x55: {  	_ =	shalt  }
0x56: {  	_ =	shalt  }
0x57: {  	_ =	shalt  }
0x58: {  	_ =	shalt  }
0x59: {  	_ =	shalt  }
0x5a: {  	_ =	shalt  }
0x5b: {  	_ =	shalt  }
0x5c: {  	_ =	shalt  }
0x5d: {  	_ =	shalt  }
0x5e: {  	_ =	shalt  }
0x5f: {  	_ =	shalt  }
0x60: {  	_ =	shalt  }
0x61: {  	_ =	shalt  }
0x62: {  	_ =	shalt  }
0x63: {  	_ =	shalt  }
0x64: {  	_ =	shalt  }
0x65: {  	_ =	shalt  }
0x66: {  	_ =	shalt  }
0x67: {  	_ =	shalt  }
0x68: {  	_ =	shalt  }
0x69: {  	_ =	shalt  }
0x6a: {  	_ =	shalt  }
0x6b: {  	_ =	shalt  }
0x6c: {  	_ =	shalt  }
0x6d: {  	_ =	shalt  }
0x6e: {  	_ =	shalt  }
0x6f: {  	_ =	shalt  }
0x70: {  	_ =	shalt  }
0x71: {  	_ =	shalt  }
0x72: {  	_ =	shalt  }
0x73: {  	_ =	shalt  }
0x74: {  	_ =	shalt  }
0x75: {  	_ =	shalt  }
0x76: {  	_ =	shalt  }
0x77: {  	_ =	shalt  }
0x78: {  	_ =	shalt  }
0x79: {  	_ =	shalt  }
0x7a: {  	_ =	shalt  }
0x7b: {  	_ =	shalt  }
0x7c: {  	_ =	shalt  }
0x7d: {  	_ =	shalt  }
0x7e: {  	_ =	shalt  }
0x7f: {  	_ =	shalt  }
0x80: {  	_ =	shalt  }
0x81: {  	_ =	shalt  }
0x82: {  	_ =	shalt  }
0x83: {  	_ =	shalt  }
0x84: {  	_ =	shalt  }
0x85: {  	_ =	shalt  }
0x86: {  	_ =	shalt  }
0x87: {  	_ =	shalt  }
.Lfunc_end0:
.L_simem_size_0:
called_computation_lowered:
.L_overlay_start_0:
0x88: {  	s2 =	sld [smem:$0x3FD9]  }
0x89: {  	s3 =	sld [smem:$0x3FFE];
	_ =	sdelay $0x1  }
0x8a: {  	s1 =	srdreg.scid  }
0x8b: {  	s0 =	sand.u32 $0x1, s1  }
0x8c: {  	s16 =	sshll.u32 s0, $0xA;
	s2 =	sadd.s32 s3, s2  }
0x8d: {  	s2 =	sadd.s32 s2, s16  }
0x8e: {  	[smem:$0x3FB6] =	sst s2  }
0x8f: {  	_ = 	snop  }
0x90: {  	(tm) =	ssettm $0x1  }
0x91: {  	s17 =	sld [smem:$0x3FFB];
	_ =	sdelay $0x3  }
0x92: {  	_ =	strace s17  }
0x93: {  	s2 =	sld [smem:$0x3FFC];
	_ =	sdelay $0x3  }
0x94: {  	_ =	strace s2  }
0x95: {  	s2 =	sld [smem:$0x3FFD];
	_ =	sdelay $0x3  }
0x96: {  	_ =	strace s2  }
0x97: {  	_ =	strace $0x8FFFFFFF  }
0x98: {  	s18 =	sld [smem:$0x3FDB];
	_ =	sdelay $0x1  }
0x99: {  	s19 =	simm.s32 $_scs_section_size  }
0x9a: {  	s4 =	simm.s32 $_size__tile_overlayer_lowered;
	s5 =	simm.s32 $_tile_overlayer_lowered  }
0x9b: {  	s22 =	simm.s32 $0x1BFF;
	s21 =	sshll.u32 s5, $0x1;
	s2 =	sadd.s32 s19, s18  }
0x9c: {  	s6 =	simm.s32 $0x0;
	s20 =	sshll.u32 s4, $0x1;
	s4 =	sadd.s32 s21, s2  }
0x9d: {  	[timem:s6], [sflag:s22] =	dma.local [hbm:s4], s20  }
0x9e: {  	_ =	swait.ge [sflag:s22], s20  }
0x9f: {  	s3 =	ssub.s32 $0x0, s20;
	[sflag:s22] =	ssyncset.done $0x0  }
0xa0: {  	[sflag:s22] =	ssyncadd.s32 s3;
	_ =	sdelay $0x1  }
0xa1: {  	s23 =	simm.s32 $0x1B8B  }
0xa2: {  	_ =	swait.ge [sflag:s23], $0x1  }
0xa3: {  	[sflag:s23] =	ssyncset.done $0x0  }
0xa4: {  	s25 =	simm.s32 $0x1B8E;
	s24 =	sld [smem:$0x3FFE];
	[sflag:s23] =	ssyncadd.s32 $0xFFFFFFFF  }
0xa5: {  	s26 =	simm.s32 $execute0_lowered;
	[smem:$0x3FD2] =	sst s25  }
0xa6: {  	s4 =	sshll.u32 s26, $0x1;
	_ =	strace $0x80000046;
	[dreg:$0x1] =	wrdreg $0xFFFFFFFF  }
0xa7: {  	s28 =	simm.s32 $_size_execute0_lowered;
	s2 =	sadd.s32 s2, s4;
	[dreg:$0x0] =	wrdreg $0x0  }
0xa8: {  	s4 =	sshll.u32 s28, $0x1;
	[dreg:$0x2] =	wrdreg s2  }
0xa9: {  	[dreg:$0x3] =	wrdreg s4  }
0xaa: {  	[dreg:$0x4] =	wrdreg $0xC0  }
0xab: {  	_ =	task [dreg:s6], $0x5FFFF  }
0xac: {  	[dreg:$0x1] =	wrdreg $0xFFFFFFFF  }
0xad: {  	[dreg:$0x0] =	wrdreg $0x60  }
0xae: {  	[dreg:$0x2] =	wrdreg s24  }
0xaf: {  	[dreg:$0x3] =	wrdreg $0x41000  }
0xb0: {  	[dreg:$0x4] =	wrdreg $0x9  }
0xb1: {  	_ =	task.clear_ibuf [dreg:s6], $0x5FFFF;
	_ =	strace $0x90000046  }
0xb2: {  	s29 =	simm.s32 $0x9;
	_ =	strace $0x80000048  }
0xb3: {  	_ =	swait.ge [sflag:s29], $0x1  }
0xb4: {  	[sflag:s29] =	ssyncadd.s32 $0xFFFFFFFF  }
0xb5: {  	_ =	strace $0x90000048  }
0xb6: {  	_ =	sfence  }
0xb7: {  	s30 =	sld [smem:$0x0];
	_ =	sdelay $0x2  }
0xb8: {  	s31 =	sshll.u32 s1, $0xD;
	s1 =	sshrl.u32 s1, $0x2  }
0xb9: {  	s3 =	sand.u32 $0x4000, s31;
	s1 =	sadd.s32 s1, s30  }
0xba: {  	s0 =	sor.u32 s3, s0;
	s1 =	sshll.u32 s1, $0x11  }
0xbb: {  	s0 =	sor.u32 s1, s0  }
0xbc: {  	s0 =	sadd.s32 $0x8F2B, s0  }
0xbd: {  	[sflag:s0] =	ssyncadd.remote.s32 $0x1  }
0xbe: {  	_ =	sfence.sel $0xFFFF  }
0xbf: {  	[dreg:$0x0] =	wrdreg $0xFFFFFFFF;
	(pc) =	sbr.abs _section_cstart, $3  }
0xc0: {  	[dreg:$0x1] =	wrdreg $0xFFFFFFFF  }
0xc1: {  	_ =	task.clear_ibuf [dreg:s6], $0x2FFFF;
	_ =	strace $0x9FFFFFFF  }
0xc2: {  	(tm) =	ssettm $0x7FFFFFFF  }
0xc3: {  	_ =	shalt  }
tec
execute0_lowered:
.L_overlay_start_1:
0x0: {  	(tag) =	ssettag $0x1  }
0x1: {  	s0 =	srdreg.scid;
	s8 =	rddreg [dreg:$0x0]  }
0x2: {  	s3 =	rddreg [dreg:$0x1];
	s7 =	sand.u32 $0x1, s0  }
0x3: {  	s0 =	stileid.u32;
	s9 =	smul.u32 $0x13C000, s7  }
0x4: {  	s1 =	rddreg [dreg:$0x2];
	s4 =	simm.s32 $0x0;
	s10 =	smul.u32 $0x13C00, s0  }
0x5: {  	[smem:$0x7FF] =	sst s4;
	s5 =	sadd.s32 $0x15E00, s8;
	s12 =	smul.u32 $0x4F000, s0  }
0x6: {  	s2 =	sxor.u32 $0x4F, s7;
	_ =	strace $0x80000047;
	s13 =	smul.u32 $0x4F00, s7  }
0x7: {  	s28 =	ssub.s32 $0x2, s7;
	s31 =	sshll.u32 s0, $0x6;
	s6 =	smul.u32 s2, s0  }
0x8: {  	s29 =	sshrl.u32 s28, $0x1;
	s7 =	sor.u32 $0x1C02, s31;
	s9 =	sadd.s32 s10, s9  }
0x9: {  	s30 =	sshrl.u32 s12, $0x2;
	s6 =	sshll.u32 s6, $0x4;
	s9 =	sshrl.u32 s9, $0x3  }
0xa: {  	s12 =	sadd.s32 s30, s3;
	s11 =	sadd.s32 s6, s8;
	s6 =	sadd.s32 $0x3D000, s8  }
0xb: {  	s8 =	sadd.s32 s9, s8;
	s9 =	ssub.s32 s28, s29;
	s12 =	sshrl.u32 s12, $0x3  }
0xc: {  	s11 =	sadd.s32 s13, s11;
	s8 =	sadd.s32 $0x3F800, s8;
	s9 =	smax.u32 s9, $0x1  }
0xd: {  	s13 =	simm.s32 $0x2;
	s10 =	sadd.s32 $0xC000, s11;
	s11 =	sadd.s32 $0x2200, s11  }
.LBB2_1:
0xe: {  	[spmem:s12], [sflag:s7] =	dma.local [hbm:s6], $0x2780  }
0xf: {  	_ =	swait.ge [sflag:s13], $0x2780  }
0x10: {  	[sflag:s13] =	ssyncset.done $0x0  }
0x11: {  	p0 =	sle.u32 s2, $0x0;
	[sflag:s13] =	ssyncadd.s32 $0xFFFFD880  }
0x12: {  	s14 =	simm.s32 @!p0 $0x0;
	s15 =	simm.s32 @!p0 $0x3;
	[bflag:$0x0] =	sbarrier.arrive $0xFFFF  }
0x13: {  	[tilespmem:s14], [sflag:$0x3] =	stream.linear.gather @!p0 [hbm4b:s11+s14], $0x80, $0x38;
	[tilespmem:$0x17D00] =	vst v63  }
0x14: {  	_ =	swait.ge @!p0 [sflag:s15], $0x80  }
0x15: {  	s16 =	simm.s32 @!p0 $0x1;
	[sflag:s15] =	ssyncset.done @!p0 $0x0  }
0x16: {  	s18 =	simm.s32 @!p0 $0x80;
	s19 =	simm.s32 @!p0 $0x100;
	[sflag:s15] =	ssyncadd.s32 @!p0 $0xFFFFFF80  }
0x17: {  	[tilespmem:s19], [sflag:$0x1] =	stream.indirect.gather @!p0 [hbm4b:s5+s18], $0x80, s14, s18, $0xb8;
	[tilespmem:$0x17D00] =	vst v63  }
0x18: {  	_ =	swait.ge @!p0 [sflag:s16], $0x4000;
	p0 =	por p0, p0  }
0x19: {  	[sflag:s16] =	ssyncset.done @!p0 $0x0  }
0x1a: {  	[sflag:s16] =	ssyncadd.s32 @!p0 $0xFFFFC000  }
0x1b: {  	[tilespmem:s18], [sflag:$0x3] =	stream.linear.gather @!p0 [hbm4b:s10+s14], $0x80, $0x38;
	[tilespmem:$0x17D00] =	vst v63  }
0x1c: {  	_ =	swait.ge @!p0 [sflag:s15], $0x80  }
0x1d: {  	[sflag:s15] =	ssyncset.done @!p0 $0x0  }
0x1e: {  	s17 =	simm.s32 @!p0 $0x2;
	[sflag:s15] =	ssyncadd.s32 @!p0 $0xFFFFFF80  }
0x1f: {  	[spmem:s3] =	stream.indirect.scatter.add.f32 @!p0 [tilespmem:s19], [sflag:$0x2], $0x80, s18, s18, $0xb8;
	[tilespmem:$0x17D00] =	vst v63  }
0x20: {  	p1 =	sle.u32 s2, $0x1;
	s16 =	simm.s32 $0x2;
	_ =	swait.ge @!p0 [sflag:s17], $0x4000  }
0x21: {  	s14 =	sadd.s32 $0x10, s10;
	s15 =	sadd.s32 $0x10, s11;
	[sflag:s17] =	ssyncset.done @!p0 $0x0  }
.LBB2_2:
0x22: {  	s18 =	simm.s32 @!p1 $0x0;
	s19 =	simm.s32 @!p1 $0x3;
	[sflag:s17] =	ssyncadd.s32 @!p0 $0xFFFFC000  }
0x23: {  	[tilespmem:s18], [sflag:$0x3] =	stream.linear.gather @!p1 [hbm4b:s15+s18], $0x80, $0x38;
	[tilespmem:$0x17D00] =	vst v63  }
0x24: {  	s20 =	smov.u32 s16;
	s16 =	sadd.s32 $0x1, s16;
	_ =	swait.ge @!p1 [sflag:s19], $0x80  }
0x25: {  	s17 =	simm.s32 @!p1 $0x1;
	p2 =	sne.s32 s16, $0x4F;
	[sflag:s19] =	ssyncset.done @!p1 $0x0  }
0x26: {  	s21 =	simm.s32 @!p1 $0x80;
	s22 =	simm.s32 @!p1 $0x100;
	[sflag:s19] =	ssyncadd.s32 @!p1 $0xFFFFFF80  }
0x27: {  	[tilespmem:s22], [sflag:$0x1] =	stream.indirect.gather @!p1 [hbm4b:s5+s21], $0x80, s18, s21, $0xb8;
	[tilespmem:$0x17D00] =	vst v63  }
0x28: {  	p0 =	por p1, p1;
	_ =	swait.ge @!p1 [sflag:s17], $0x4000  }
0x29: {  	[sflag:s17] =	ssyncset.done @!p0 $0x0  }
0x2a: {  	[sflag:s17] =	ssyncadd.s32 @!p0 $0xFFFFC000  }
0x2b: {  	[tilespmem:s21], [sflag:$0x3] =	stream.linear.gather @!p0 [hbm4b:s14+s18], $0x80, $0x38;
	[tilespmem:$0x17D00] =	vst v63  }
0x2c: {  	_ =	swait.ge @!p0 [sflag:s19], $0x80  }
.Ltmp0:
0x2d: {  	[sflag:s19] =	ssyncset.done @!p0 $0x0;
	(pc) =	sbr.rel @p2 .LBB2_2-.Ltmp0, $4  }
0x2e: {  	s17 =	simm.s32 @!p0 $0x2;
	[sflag:s19] =	ssyncadd.s32 @!p0 $0xFFFFFF80  }
0x2f: {  	[spmem:s3] =	stream.indirect.scatter.add.f32 @!p0 [tilespmem:s22], [sflag:$0x2], $0x80, s21, s21, $0xb8;
	[tilespmem:$0x17D00] =	vst v63  }
0x30: {  	s15 =	sadd.s32 $0x10, s15;
	_ =	swait.ge @!p0 [sflag:s17], $0x4000  }
0x31: {  	p1 =	sge.u32 s20, s2;
	s14 =	sadd.s32 $0x10, s14;
	[sflag:s17] =	ssyncset.done @!p0 $0x0  }
0x32: {  	s16 =	simm.s32 @!p1 $0x0;
	s18 =	simm.s32 @!p1 $0x3;
	[sflag:s17] =	ssyncadd.s32 @!p0 $0xFFFFC000  }
0x33: {  	[tilespmem:s16], [sflag:$0x3] =	stream.linear.gather @!p1 [hbm4b:s15+s16], $0x80, $0x38;
	[tilespmem:$0x17D00] =	vst v63  }
0x34: {  	_ =	swait.ge @!p1 [sflag:s18], $0x80  }
0x35: {  	s17 =	simm.s32 @!p1 $0x80;
	[sflag:s18] =	ssyncset.done @!p1 $0x0  }
0x36: {  	s19 =	simm.s32 @!p1 $0x100;
	s15 =	simm.s32 @!p1 $0x1;
	[sflag:s18] =	ssyncadd.s32 @!p1 $0xFFFFFF80  }
0x37: {  	[tilespmem:s19], [sflag:$0x1] =	stream.indirect.gather @!p1 [hbm4b:s5+s17], $0x80, s16, s17, $0xb8;
	[tilespmem:$0x17D00] =	vst v63  }
0x38: {  	p0 =	por p1, p1;
	_ =	swait.ge @!p1 [sflag:s15], $0x4000  }
0x39: {  	[sflag:s15] =	ssyncset.done @!p0 $0x0  }
0x3a: {  	[sflag:s15] =	ssyncadd.s32 @!p0 $0xFFFFC000  }
0x3b: {  	[tilespmem:s17], [sflag:$0x3] =	stream.linear.gather @!p0 [hbm4b:s14+s16], $0x80, $0x38;
	[tilespmem:$0x17D00] =	vst v63  }
0x3c: {  	_ =	swait.ge @!p0 [sflag:s18], $0x80  }
0x3d: {  	[sflag:s18] =	ssyncset.done @!p0 $0x0  }
0x3e: {  	s14 =	simm.s32 @!p0 $0x2;
	[sflag:s18] =	ssyncadd.s32 @!p0 $0xFFFFFF80  }
0x3f: {  	[spmem:s3] =	stream.indirect.scatter.add.f32 @!p0 [tilespmem:s19], [sflag:$0x2], $0x80, s17, s17, $0xb8;
	[tilespmem:$0x17D00] =	vst v63  }
0x40: {  	_ =	swait.ge @!p0 [sflag:s14], $0x4000  }
0x41: {  	s4 =	sadd.s32 $0x1, s4;
	[sflag:s14] =	ssyncset.done @!p0 $0x0  }
0x42: {  	[sflag:s14] =	ssyncadd.s32 @!p0 $0xFFFFC000;
	p0 =	sne.s32 s4, s9  }
.Ltmp1:
0x43: {  	[bflag:$0x0] =	sbarrier.arrive $0xFFFF;
	(pc) =	sbr.rel @p0 .LBB2_1-.Ltmp1, $4  }
0x44: {  	[hbm:s8], [sflag:s7] =	dma.local [spmem:s12], $0x2780  }
0x45: {  	_ =	swait.ge [sflag:s13], $0x2780  }
0x46: {  	[sflag:s13] =	ssyncset.done $0x0  }
0x47: {  	[sflag:s13] =	ssyncadd.s32 $0xFFFFD880  }
0x48: {  	_ =	sfence.sel $0x180000  }
0x49: {  	[bflag:$0x0] =	sbarrier.arrive $0xFFFF  }
0x4a: {  	p0 =	sne.s32 s0, $0x0;
	_ =	strace $0x90000047  }
0x4b: {  	s0 =	sadd.s32 @!p0 $0x100000, s1;
	[bflag:$0x2] =	sbarrier.arrive $0xFFFF  }
0x4c: {  	[sflag:s0] =	ssyncadd.tile.s32 @!p0 $0x1;
	_ =	shalt  }
.Lfunc_end2:
_tile_overlayer_lowered:
.L_overlay_start_2:
0x4d: {  	(tag) =	ssettag $0x2  }
0x4e: {  	s0 =	rddreg [dreg:$0x0];
	s2 =	stileid.u32  }
0x4f: {  	s1 =	rddreg [dreg:$0x1];
	p0 =	sne.s32 s2, $0x0  }
0x50: {  	s3 =	rddreg [dreg:$0x2];
	[bflag:$0x3] =	sbarrier.arrive $0xFFFF;
	s2 =	simm.s32 @!p0 $0x1C02  }
0x51: {  	[timem:s3], [sflag:s2] =	dma.local @!p0 [hbm:s0], s1  }
0x52: {  	s0 =	simm.s32 @!p0 $0x2  }
0x53: {  	_ =	swait.ge @!p0 [sflag:s0], s1  }
0x54: {  	s1 =	ssub.s32 @!p0 $0x0, s1;
	[sflag:s0] =	ssyncset.done @!p0 $0x0  }
0x55: {  	[sflag:s0] =	ssyncadd.s32 @!p0 s1  }
0x56: {  	[bflag:$0x3] =	sbarrier.arrive $0xFFFF  }
0x57: {  	_ =	shalt  }

// kernel: kernel.13.cloned.1.call-start
scs
__scs_entry_jumppad:
0x0: {  	(pc) =	sbr.rel $0x88, $3  }
0x1: {  	(tag) =	ssettag $0x0;
	lr =	simm.s32 $0x1  }
0x2: {  	[smem:$0x3F8F] =	sst lr;
	_ =	strace $0xD0000000  }
0x3: {  	_ = 	snop  }
0x4: {  	_ = 	snop  }
0x5: {  	_ = 	snop  }
0x6: {  	_ = 	snop  }
0x7: {  	_ = 	snop  }
__scs_overlays_trampoline_lowered:
0x8: {  	[smem:$0x3F9E] =	sst s0  }
0x9: {  	[smem:$0x3F9F] =	sst s1  }
0xa: {  	[smem:$0x3FA0] =	sst s2  }
0xb: {  	[smem:$0x3FA1] =	sst s3  }
0xc: {  	[smem:$0x3FA2] =	sst s4  }
0xd: {  	[smem:$0x3FA3] =	sst s5  }
0xe: {  	[smem:$0x3FA4] =	sst s6  }
0xf: {  	[smem:$0x3FA5] =	sst s7  }
0x10: {  	[smem:$0x3FA6] =	sst s8  }
0x11: {  	[smem:$0x3FA7] =	sst s9;
	s0 =	simm.s32 @!p0 $0x0  }
0x12: {  	s1 =	sld [smem:$0x3F8D];
	s0 =	simm.s32 @p0 $0x1  }
0x13: {  	[smem:$0x3FA8] =	sst s0;
	s0 =	simm.s32 @!p1 $0x0  }
0x14: {  	s2 =	sld [smem:$0x3F8C];
	s0 =	simm.s32 @p1 $0x1  }
0x15: {  	[smem:$0x3FA9] =	sst s0;
	s0 =	simm.s32 @!p2 $0x0  }
0x16: {  	s3 =	sld [smem:$0x3FDB];
	s0 =	simm.s32 @p2 $0x1  }
0x17: {  	s4 =	simm.s32 $0x1BF5;
	[smem:$0x3FAB] =	sst s0  }
0x18: {  	s0 =	sld [smem:$0x3F8E];
	_ =	swait.ge [sflag:s4], $0x0  }
0x19: {  	s7 =	sld [smem:$0x3F8F]  }
0x1a: {  	s8 =	sadd.s32 $0xFFFFE003, lr  }
0x1b: {  	s9 =	sadd.s32 $0xFFFFFEF7, lr;
	s5 =	simm.s32 $0xFFFFFFFF;
	p2 =	slt.u32 s8, $0xFFFFF086  }
0x1c: {  	p1 =	slt.u32 s9, $0xF7A;
	s5 =	simm.s32 @!p2 $0x0  }
0x1d: {  	s5 =	simm.s32 @p1 $0x1;
	p0 =	seq.s32 s7, s2  }
0x1e: {  	s7 =	smul.u32 @!p0 $0xF7A, s2;
	p2 =	seq.s32 @!p0 s5, $0x0  }
0x1f: {  	s9 =	smul.u32 $0xF7A, s1;
	s8 =	simm.s32 @!p0 $0x1BF5;
	p2 =	por !p2, p0  }
0x20: {  	[sflag:s8] =	ssyncset.s32 @!p0 $0xFFFFF086;
	s6 =	sadd.s32 @!p0 s3, s7;
	s7 =	simm.s32 @!p0 $0x108  }
0x21: {  	s3 =	sadd.s32 s3, s9;
	s6 =	sadd.s32 @!p0 $0x88, s6;
	s7 =	simm.s32 @p2 $0x1082  }
0x22: {  	[simem:s7], [sflag:s8] =	dma.local @!p0 [hbm:s6], $0xF7A  }
0x23: {  	s9 =	sor.u32 $0xD0000000, s2;
	s6 =	simm.s32 $0x108;
	_ =	swait.ge @!p0 [sflag:s8], $0x0  }
0x24: {  	s3 =	sadd.s32 $0x88, s3;
	s6 =	simm.s32 @!p1 $0x1082;
	[sflag:s4] =	ssyncset.s32 $0xFFFFF086  }
0x25: {  	[simem:s6], [sflag:s4] =	dma.local [hbm:s3], $0xF7A  }
0x26: {  	[smem:$0x3F8F] =	sst s1;
	(tag) =	ssettag s2;
	_ =	strace s9  }
0x27: {  	s1 =	sld [smem:$0x3F9F]  }
0x28: {  	s2 =	sld [smem:$0x3FA0]  }
0x29: {  	s4 =	sld [smem:$0x3FA2]  }
0x2a: {  	p0 =	seq.s32 s5, $0x0;
	s5 =	sld [smem:$0x3FA3]  }
0x2b: {  	s6 =	sld [smem:$0x3FA4]  }
0x2c: {  	s7 =	sld [smem:$0x3FA5]  }
0x2d: {  	s3 =	simm.s32 $0x108;
	s8 =	sld [smem:$0x3FA6]  }
0x2e: {  	s3 =	simm.s32 @!p0 $0x1082;
	s9 =	sld [smem:$0x3FA7]  }
0x2f: {  	lr =	sadd.s32 s0, s3;
	s0 =	sld [smem:$0x3F9E]  }
0x30: {  	s3 =	sld [smem:$0x3FA1]  }
0x31: {  	[smem:$0x3FAA] =	sst s10  }
0x32: {  	s10 =	sld [smem:$0x3FA8];
	_ =	sdelay $0x3  }
0x33: {  	p0 =	seq.s32 s10, $0x1;
	s10 =	sld [smem:$0x3FAA];
	_ =	sdelay $0x3  }
0x34: {  	[smem:$0x3FAA] =	sst s10  }
0x35: {  	s10 =	sld [smem:$0x3FA9];
	_ =	sdelay $0x3  }
0x36: {  	p1 =	seq.s32 s10, $0x1;
	s10 =	sld [smem:$0x3FAA];
	_ =	sdelay $0x3  }
0x37: {  	[smem:$0x3FAA] =	sst s10  }
0x38: {  	s10 =	sld [smem:$0x3FAB]  }
0x39: {  	_ = 	snop;
	(pc) =	sbr.ind lr, $3  }
0x3a: {  	_ = 	snop  }
0x3b: {  	_ = 	snop  }
0x3c: {  	p2 =	seq.s32 s10, $0x1;
	s10 =	sld [smem:$0x3FAA]  }
0x3d: {  	_ =	shalt  }
0x3e: {  	_ =	shalt  }
0x3f: {  	_ =	shalt  }
0x40: {  	_ =	shalt  }
0x41: {  	_ =	shalt  }
0x42: {  	_ =	shalt  }
0x43: {  	_ =	shalt  }
0x44: {  	_ =	shalt  }
0x45: {  	_ =	shalt  }
0x46: {  	_ =	shalt  }
0x47: {  	_ =	shalt  }
0x48: {  	_ =	shalt  }
0x49: {  	_ =	shalt  }
0x4a: {  	_ =	shalt  }
0x4b: {  	_ =	shalt  }
0x4c: {  	_ =	shalt  }
0x4d: {  	_ =	shalt  }
0x4e: {  	_ =	shalt  }
0x4f: {  	_ =	shalt  }
0x50: {  	_ =	shalt  }
0x51: {  	_ =	shalt  }
0x52: {  	_ =	shalt  }
0x53: {  	_ =	shalt  }
0x54: {  	_ =	shalt  }
0x55: {  	_ =	shalt  }
0x56: {  	_ =	shalt  }
0x57: {  	_ =	shalt  }
0x58: {  	_ =	shalt  }
0x59: {  	_ =	shalt  }
0x5a: {  	_ =	shalt  }
0x5b: {  	_ =	shalt  }
0x5c: {  	_ =	shalt  }
0x5d: {  	_ =	shalt  }
0x5e: {  	_ =	shalt  }
0x5f: {  	_ =	shalt  }
0x60: {  	_ =	shalt  }
0x61: {  	_ =	shalt  }
0x62: {  	_ =	shalt  }
0x63: {  	_ =	shalt  }
0x64: {  	_ =	shalt  }
0x65: {  	_ =	shalt  }
0x66: {  	_ =	shalt  }
0x67: {  	_ =	shalt  }
0x68: {  	_ =	shalt  }
0x69: {  	_ =	shalt  }
0x6a: {  	_ =	shalt  }
0x6b: {  	_ =	shalt  }
0x6c: {  	_ =	shalt  }
0x6d: {  	_ =	shalt  }
0x6e: {  	_ =	shalt  }
0x6f: {  	_ =	shalt  }
0x70: {  	_ =	shalt  }
0x71: {  	_ =	shalt  }
0x72: {  	_ =	shalt  }
0x73: {  	_ =	shalt  }
0x74: {  	_ =	shalt  }
0x75: {  	_ =	shalt  }
0x76: {  	_ =	shalt  }
0x77: {  	_ =	shalt  }
0x78: {  	_ =	shalt  }
0x79: {  	_ =	shalt  }
0x7a: {  	_ =	shalt  }
0x7b: {  	_ =	shalt  }
0x7c: {  	_ =	shalt  }
0x7d: {  	_ =	shalt  }
0x7e: {  	_ =	shalt  }
0x7f: {  	_ =	shalt  }
0x80: {  	_ =	shalt  }
0x81: {  	_ =	shalt  }
0x82: {  	_ =	shalt  }
0x83: {  	_ =	shalt  }
0x84: {  	_ =	shalt  }
0x85: {  	_ =	shalt  }
0x86: {  	_ =	shalt  }
0x87: {  	_ =	shalt  }
.Lfunc_end0:
.L_simem_size_0:
called_computation.1_lowered:
.L_overlay_start_0:
0x88: {  	s2 =	sld [smem:$0x3FD9]  }
0x89: {  	s3 =	sld [smem:$0x3FFE];
	_ =	sdelay $0x1  }
0x8a: {  	s1 =	srdreg.scid  }
0x8b: {  	s0 =	sand.u32 $0x1, s1  }
0x8c: {  	s16 =	sshll.u32 s0, $0xA;
	s2 =	sadd.s32 s3, s2  }
0x8d: {  	s2 =	sadd.s32 s2, s16  }
0x8e: {  	[smem:$0x3FB6] =	sst s2  }
0x8f: {  	_ = 	snop  }
0x90: {  	(tm) =	ssettm $0x1  }
0x91: {  	s17 =	sld [smem:$0x3FFB];
	_ =	sdelay $0x3  }
0x92: {  	_ =	strace s17  }
0x93: {  	s2 =	sld [smem:$0x3FFC];
	_ =	sdelay $0x3  }
0x94: {  	_ =	strace s2  }
0x95: {  	s2 =	sld [smem:$0x3FFD];
	_ =	sdelay $0x3  }
0x96: {  	_ =	strace s2  }
0x97: {  	_ =	strace $0x8FFFFFFF  }
0x98: {  	s18 =	sld [smem:$0x3FDB];
	_ =	sdelay $0x1  }
0x99: {  	s19 =	simm.s32 $_scs_section_size  }
0x9a: {  	s4 =	simm.s32 $_size__tile_overlayer_lowered;
	s5 =	simm.s32 $_tile_overlayer_lowered  }
0x9b: {  	s22 =	simm.s32 $0x1BFF;
	s21 =	sshll.u32 s5, $0x1;
	s2 =	sadd.s32 s19, s18  }
0x9c: {  	s6 =	simm.s32 $0x0;
	s20 =	sshll.u32 s4, $0x1;
	s4 =	sadd.s32 s21, s2  }
0x9d: {  	[timem:s6], [sflag:s22] =	dma.local [hbm:s4], s20  }
0x9e: {  	_ =	swait.ge [sflag:s22], s20  }
0x9f: {  	s3 =	ssub.s32 $0x0, s20;
	[sflag:s22] =	ssyncset.done $0x0  }
0xa0: {  	[sflag:s22] =	ssyncadd.s32 s3;
	_ =	sdelay $0x1  }
0xa1: {  	s23 =	simm.s32 $0x1B8B  }
0xa2: {  	_ =	swait.ge [sflag:s23], $0x1  }
0xa3: {  	[sflag:s23] =	ssyncset.done $0x0  }
0xa4: {  	s25 =	simm.s32 $0x1B8E;
	s24 =	sld [smem:$0x3FFE];
	[sflag:s23] =	ssyncadd.s32 $0xFFFFFFFF  }
0xa5: {  	s26 =	simm.s32 $execute0_lowered;
	[smem:$0x3FD2] =	sst s25  }
0xa6: {  	s4 =	sshll.u32 s26, $0x1;
	_ =	strace $0x80000049;
	[dreg:$0x1] =	wrdreg $0xFFFFFFFF  }
0xa7: {  	s28 =	simm.s32 $_size_execute0_lowered;
	s2 =	sadd.s32 s2, s4;
	[dreg:$0x0] =	wrdreg $0x0  }
0xa8: {  	s4 =	sshll.u32 s28, $0x1;
	[dreg:$0x2] =	wrdreg s2  }
0xa9: {  	[dreg:$0x3] =	wrdreg s4  }
0xaa: {  	[dreg:$0x4] =	wrdreg $0xC0  }
0xab: {  	_ =	task [dreg:s6], $0x5FFFF  }
0xac: {  	[dreg:$0x1] =	wrdreg $0xFFFFFFFF  }
0xad: {  	[dreg:$0x0] =	wrdreg $0x60  }
0xae: {  	[dreg:$0x2] =	wrdreg s24  }
0xaf: {  	[dreg:$0x3] =	wrdreg $0x41000  }
0xb0: {  	[dreg:$0x4] =	wrdreg $0x9  }
0xb1: {  	_ =	task.clear_ibuf [dreg:s6], $0x5FFFF;
	_ =	strace $0x90000049  }
0xb2: {  	s29 =	simm.s32 $0x9;
	_ =	strace $0x8000004B  }
0xb3: {  	_ =	swait.ge [sflag:s29], $0x1  }
0xb4: {  	[sflag:s29] =	ssyncadd.s32 $0xFFFFFFFF  }
0xb5: {  	_ =	strace $0x9000004B  }
0xb6: {  	_ =	sfence  }
0xb7: {  	s30 =	sld [smem:$0x0];
	_ =	sdelay $0x2  }
0xb8: {  	s31 =	sshll.u32 s1, $0xD;
	s1 =	sshrl.u32 s1, $0x2  }
0xb9: {  	s3 =	sand.u32 $0x4000, s31;
	s1 =	sadd.s32 s1, s30  }
0xba: {  	s0 =	sor.u32 s3, s0;
	s1 =	sshll.u32 s1, $0x11  }
0xbb: {  	s0 =	sor.u32 s1, s0  }
0xbc: {  	s0 =	sadd.s32 $0x8F2B, s0  }
0xbd: {  	[sflag:s0] =	ssyncadd.remote.s32 $0x1  }
0xbe: {  	_ =	sfence.sel $0xFFFF  }
0xbf: {  	[dreg:$0x0] =	wrdreg $0xFFFFFFFF;
	(pc) =	sbr.abs _section_cstart, $3  }
0xc0: {  	[dreg:$0x1] =	wrdreg $0xFFFFFFFF  }
0xc1: {  	_ =	task.clear_ibuf [dreg:s6], $0x2FFFF;
	_ =	strace $0x9FFFFFFF  }
0xc2: {  	(tm) =	ssettm $0x7FFFFFFF  }
0xc3: {  	_ =	shalt  }
tec
execute0_lowered:
.L_overlay_start_1:
0x0: {  	(tag) =	ssettag $0x1  }
0x1: {  	s0 =	srdreg.scid;
	s8 =	rddreg [dreg:$0x0]  }
0x2: {  	s3 =	rddreg [dreg:$0x1];
	s7 =	sand.u32 $0x1, s0  }
0x3: {  	s0 =	stileid.u32;
	s9 =	smul.u32 $0x13C000, s7  }
0x4: {  	s1 =	rddreg [dreg:$0x2];
	s4 =	simm.s32 $0x0;
	s10 =	smul.u32 $0x13C00, s0  }
0x5: {  	[smem:$0x7FF] =	sst s4;
	s5 =	sadd.s32 $0x15E00, s8;
	s12 =	smul.u32 $0x4F000, s0  }
0x6: {  	s2 =	sxor.u32 $0x4F, s7;
	_ =	strace $0x8000004A;
	s13 =	smul.u32 $0x4F00, s7  }
0x7: {  	s28 =	ssub.s32 $0x2, s7;
	s31 =	sshll.u32 s0, $0x6;
	s6 =	smul.u32 s2, s0  }
0x8: {  	s29 =	sshrl.u32 s28, $0x1;
	s7 =	sor.u32 $0x1C02, s31;
	s9 =	sadd.s32 s10, s9  }
0x9: {  	s30 =	sshrl.u32 s12, $0x2;
	s6 =	sshll.u32 s6, $0x4;
	s9 =	sshrl.u32 s9, $0x3  }
0xa: {  	s12 =	sadd.s32 s30, s3;
	s11 =	sadd.s32 s6, s8;
	s6 =	sadd.s32 $0x3D000, s8  }
0xb: {  	s8 =	sadd.s32 s9, s8;
	s9 =	ssub.s32 s28, s29;
	s12 =	sshrl.u32 s12, $0x3  }
0xc: {  	s11 =	sadd.s32 s13, s11;
	s8 =	sadd.s32 $0x3F800, s8;
	s9 =	smax.u32 s9, $0x1  }
0xd: {  	s13 =	simm.s32 $0x2;
	s10 =	sadd.s32 $0xC000, s11;
	s11 =	sadd.s32 $0x2200, s11  }
.LBB2_1:
0xe: {  	[spmem:s12], [sflag:s7] =	dma.local [hbm:s6], $0x2780  }
0xf: {  	_ =	swait.ge [sflag:s13], $0x2780  }
0x10: {  	[sflag:s13] =	ssyncset.done $0x0  }
0x11: {  	p0 =	sle.u32 s2, $0x0;
	[sflag:s13] =	ssyncadd.s32 $0xFFFFD880  }
0x12: {  	s14 =	simm.s32 @!p0 $0x0;
	s15 =	simm.s32 @!p0 $0x3;
	[bflag:$0x0] =	sbarrier.arrive $0xFFFF  }
0x13: {  	[tilespmem:s14], [sflag:$0x3] =	stream.linear.gather @!p0 [hbm4b:s11+s14], $0x80, $0x38;
	[tilespmem:$0x17D00] =	vst v63  }
0x14: {  	_ =	swait.ge @!p0 [sflag:s15], $0x80  }
0x15: {  	s16 =	simm.s32 @!p0 $0x1;
	[sflag:s15] =	ssyncset.done @!p0 $0x0  }
0x16: {  	s18 =	simm.s32 @!p0 $0x80;
	s19 =	simm.s32 @!p0 $0x100;
	[sflag:s15] =	ssyncadd.s32 @!p0 $0xFFFFFF80  }
0x17: {  	[tilespmem:s19], [sflag:$0x1] =	stream.indirect.gather @!p0 [hbm4b:s5+s18], $0x80, s14, s18, $0xb8;
	[tilespmem:$0x17D00] =	vst v63  }
0x18: {  	_ =	swait.ge @!p0 [sflag:s16], $0x4000;
	p0 =	por p0, p0  }
0x19: {  	[sflag:s16] =	ssyncset.done @!p0 $0x0  }
0x1a: {  	[sflag:s16] =	ssyncadd.s32 @!p0 $0xFFFFC000  }
0x1b: {  	[tilespmem:s18], [sflag:$0x3] =	stream.linear.gather @!p0 [hbm4b:s10+s14], $0x80, $0x38;
	[tilespmem:$0x17D00] =	vst v63  }
0x1c: {  	_ =	swait.ge @!p0 [sflag:s15], $0x80  }
0x1d: {  	[sflag:s15] =	ssyncset.done @!p0 $0x0  }
0x1e: {  	s17 =	simm.s32 @!p0 $0x2;
	[sflag:s15] =	ssyncadd.s32 @!p0 $0xFFFFFF80  }
0x1f: {  	[spmem:s3] =	stream.indirect.scatter.add.f32 @!p0 [tilespmem:s19], [sflag:$0x2], $0x80, s18, s18, $0xb8;
	[tilespmem:$0x17D00] =	vst v63  }
0x20: {  	p1 =	sle.u32 s2, $0x1;
	s16 =	simm.s32 $0x2;
	_ =	swait.ge @!p0 [sflag:s17], $0x4000  }
0x21: {  	s14 =	sadd.s32 $0x10, s10;
	s15 =	sadd.s32 $0x10, s11;
	[sflag:s17] =	ssyncset.done @!p0 $0x0  }
.LBB2_2:
0x22: {  	s18 =	simm.s32 @!p1 $0x0;
	s19 =	simm.s32 @!p1 $0x3;
	[sflag:s17] =	ssyncadd.s32 @!p0 $0xFFFFC000  }
0x23: {  	[tilespmem:s18], [sflag:$0x3] =	stream.linear.gather @!p1 [hbm4b:s15+s18], $0x80, $0x38;
	[tilespmem:$0x17D00] =	vst v63  }
0x24: {  	s20 =	smov.u32 s16;
	s16 =	sadd.s32 $0x1, s16;
	_ =	swait.ge @!p1 [sflag:s19], $0x80  }
0x25: {  	s17 =	simm.s32 @!p1 $0x1;
	p2 =	sne.s32 s16, $0x4F;
	[sflag:s19] =	ssyncset.done @!p1 $0x0  }
0x26: {  	s21 =	simm.s32 @!p1 $0x80;
	s22 =	simm.s32 @!p1 $0x100;
	[sflag:s19] =	ssyncadd.s32 @!p1 $0xFFFFFF80  }
0x27: {  	[tilespmem:s22], [sflag:$0x1] =	stream.indirect.gather @!p1 [hbm4b:s5+s21], $0x80, s18, s21, $0xb8;
	[tilespmem:$0x17D00] =	vst v63  }
0x28: {  	p0 =	por p1, p1;
	_ =	swait.ge @!p1 [sflag:s17], $0x4000  }
0x29: {  	[sflag:s17] =	ssyncset.done @!p0 $0x0  }
0x2a: {  	[sflag:s17] =	ssyncadd.s32 @!p0 $0xFFFFC000  }
0x2b: {  	[tilespmem:s21], [sflag:$0x3] =	stream.linear.gather @!p0 [hbm4b:s14+s18], $0x80, $0x38;
	[tilespmem:$0x17D00] =	vst v63  }
0x2c: {  	_ =	swait.ge @!p0 [sflag:s19], $0x80  }
.Ltmp0:
0x2d: {  	[sflag:s19] =	ssyncset.done @!p0 $0x0;
	(pc) =	sbr.rel @p2 .LBB2_2-.Ltmp0, $4  }
0x2e: {  	s17 =	simm.s32 @!p0 $0x2;
	[sflag:s19] =	ssyncadd.s32 @!p0 $0xFFFFFF80  }
0x2f: {  	[spmem:s3] =	stream.indirect.scatter.add.f32 @!p0 [tilespmem:s22], [sflag:$0x2], $0x80, s21, s21, $0xb8;
	[tilespmem:$0x17D00] =	vst v63  }
0x30: {  	s15 =	sadd.s32 $0x10, s15;
	_ =	swait.ge @!p0 [sflag:s17], $0x4000  }
0x31: {  	p1 =	sge.u32 s20, s2;
	s14 =	sadd.s32 $0x10, s14;
	[sflag:s17] =	ssyncset.done @!p0 $0x0  }
0x32: {  	s16 =	simm.s32 @!p1 $0x0;
	s18 =	simm.s32 @!p1 $0x3;
	[sflag:s17] =	ssyncadd.s32 @!p0 $0xFFFFC000  }
0x33: {  	[tilespmem:s16], [sflag:$0x3] =	stream.linear.gather @!p1 [hbm4b:s15+s16], $0x80, $0x38;
	[tilespmem:$0x17D00] =	vst v63  }
0x34: {  	_ =	swait.ge @!p1 [sflag:s18], $0x80  }
0x35: {  	s17 =	simm.s32 @!p1 $0x80;
	[sflag:s18] =	ssyncset.done @!p1 $0x0  }
0x36: {  	s19 =	simm.s32 @!p1 $0x100;
	s15 =	simm.s32 @!p1 $0x1;
	[sflag:s18] =	ssyncadd.s32 @!p1 $0xFFFFFF80  }
0x37: {  	[tilespmem:s19], [sflag:$0x1] =	stream.indirect.gather @!p1 [hbm4b:s5+s17], $0x80, s16, s17, $0xb8;
	[tilespmem:$0x17D00] =	vst v63  }
0x38: {  	p0 =	por p1, p1;
	_ =	swait.ge @!p1 [sflag:s15], $0x4000  }
0x39: {  	[sflag:s15] =	ssyncset.done @!p0 $0x0  }
0x3a: {  	[sflag:s15] =	ssyncadd.s32 @!p0 $0xFFFFC000  }
0x3b: {  	[tilespmem:s17], [sflag:$0x3] =	stream.linear.gather @!p0 [hbm4b:s14+s16], $0x80, $0x38;
	[tilespmem:$0x17D00] =	vst v63  }
0x3c: {  	_ =	swait.ge @!p0 [sflag:s18], $0x80  }
0x3d: {  	[sflag:s18] =	ssyncset.done @!p0 $0x0  }
0x3e: {  	s14 =	simm.s32 @!p0 $0x2;
	[sflag:s18] =	ssyncadd.s32 @!p0 $0xFFFFFF80  }
0x3f: {  	[spmem:s3] =	stream.indirect.scatter.add.f32 @!p0 [tilespmem:s19], [sflag:$0x2], $0x80, s17, s17, $0xb8;
	[tilespmem:$0x17D00] =	vst v63  }
0x40: {  	_ =	swait.ge @!p0 [sflag:s14], $0x4000  }
0x41: {  	s4 =	sadd.s32 $0x1, s4;
	[sflag:s14] =	ssyncset.done @!p0 $0x0  }
0x42: {  	[sflag:s14] =	ssyncadd.s32 @!p0 $0xFFFFC000;
	p0 =	sne.s32 s4, s9  }
.Ltmp1:
0x43: {  	[bflag:$0x0] =	sbarrier.arrive $0xFFFF;
	(pc) =	sbr.rel @p0 .LBB2_1-.Ltmp1, $4  }
0x44: {  	[hbm:s8], [sflag:s7] =	dma.local [spmem:s12], $0x2780  }
0x45: {  	_ =	swait.ge [sflag:s13], $0x2780  }
0x46: {  	[sflag:s13] =	ssyncset.done $0x0  }
0x47: {  	[sflag:s13] =	ssyncadd.s32 $0xFFFFD880  }
0x48: {  	_ =	sfence.sel $0x180000  }
0x49: {  	[bflag:$0x0] =	sbarrier.arrive $0xFFFF  }
0x4a: {  	p0 =	sne.s32 s0, $0x0;
	_ =	strace $0x9000004A  }
0x4b: {  	s0 =	sadd.s32 @!p0 $0x100000, s1;
	[bflag:$0x2] =	sbarrier.arrive $0xFFFF  }
0x4c: {  	[sflag:s0] =	ssyncadd.tile.s32 @!p0 $0x1;
	_ =	shalt  }
.Lfunc_end2:
_tile_overlayer_lowered:
.L_overlay_start_2:
0x4d: {  	(tag) =	ssettag $0x2  }
0x4e: {  	s0 =	rddreg [dreg:$0x0];
	s2 =	stileid.u32  }
0x4f: {  	s1 =	rddreg [dreg:$0x1];
	p0 =	sne.s32 s2, $0x0  }
0x50: {  	s3 =	rddreg [dreg:$0x2];
	[bflag:$0x3] =	sbarrier.arrive $0xFFFF;
	s2 =	simm.s32 @!p0 $0x1C02  }
0x51: {  	[timem:s3], [sflag:s2] =	dma.local @!p0 [hbm:s0], s1  }
0x52: {  	s0 =	simm.s32 @!p0 $0x2  }
0x53: {  	_ =	swait.ge @!p0 [sflag:s0], s1  }
0x54: {  	s1 =	ssub.s32 @!p0 $0x0, s1;
	[sflag:s0] =	ssyncset.done @!p0 $0x0  }
0x55: {  	[sflag:s0] =	ssyncadd.s32 @!p0 s1  }
0x56: {  	[bflag:$0x3] =	sbarrier.arrive $0xFFFF  }
0x57: {  	_ =	shalt  }

// kernel: kernel.16.cloned.1.call-start
scs
__scs_entry_jumppad:
0x0: {  	(pc) =	sbr.rel $0x88, $3  }
0x1: {  	(tag) =	ssettag $0x0;
	lr =	simm.s32 $0x1  }
0x2: {  	[smem:$0x3F8F] =	sst lr;
	_ =	strace $0xD0000000  }
0x3: {  	_ = 	snop  }
0x4: {  	_ = 	snop  }
0x5: {  	_ = 	snop  }
0x6: {  	_ = 	snop  }
0x7: {  	_ = 	snop  }
__scs_overlays_trampoline_lowered:
0x8: {  	[smem:$0x3F9E] =	sst s0  }
0x9: {  	[smem:$0x3F9F] =	sst s1  }
0xa: {  	[smem:$0x3FA0] =	sst s2  }
0xb: {  	[smem:$0x3FA1] =	sst s3  }
0xc: {  	[smem:$0x3FA2] =	sst s4  }
0xd: {  	[smem:$0x3FA3] =	sst s5  }
0xe: {  	[smem:$0x3FA4] =	sst s6  }
0xf: {  	[smem:$0x3FA5] =	sst s7  }
0x10: {  	[smem:$0x3FA6] =	sst s8  }
0x11: {  	[smem:$0x3FA7] =	sst s9;
	s0 =	simm.s32 @!p0 $0x0  }
0x12: {  	s1 =	sld [smem:$0x3F8D];
	s0 =	simm.s32 @p0 $0x1  }
0x13: {  	[smem:$0x3FA8] =	sst s0;
	s0 =	simm.s32 @!p1 $0x0  }
0x14: {  	s2 =	sld [smem:$0x3F8C];
	s0 =	simm.s32 @p1 $0x1  }
0x15: {  	[smem:$0x3FA9] =	sst s0;
	s0 =	simm.s32 @!p2 $0x0  }
0x16: {  	s3 =	sld [smem:$0x3FDB];
	s0 =	simm.s32 @p2 $0x1  }
0x17: {  	s4 =	simm.s32 $0x1BF5;
	[smem:$0x3FAB] =	sst s0  }
0x18: {  	s0 =	sld [smem:$0x3F8E];
	_ =	swait.ge [sflag:s4], $0x0  }
0x19: {  	s7 =	sld [smem:$0x3F8F]  }
0x1a: {  	s8 =	sadd.s32 $0xFFFFE003, lr  }
0x1b: {  	s9 =	sadd.s32 $0xFFFFFEF7, lr;
	s5 =	simm.s32 $0xFFFFFFFF;
	p2 =	slt.u32 s8, $0xFFFFF086  }
0x1c: {  	p1 =	slt.u32 s9, $0xF7A;
	s5 =	simm.s32 @!p2 $0x0  }
0x1d: {  	s5 =	simm.s32 @p1 $0x1;
	p0 =	seq.s32 s7, s2  }
0x1e: {  	s7 =	smul.u32 @!p0 $0xF7A, s2;
	p2 =	seq.s32 @!p0 s5, $0x0  }
0x1f: {  	s9 =	smul.u32 $0xF7A, s1;
	s8 =	simm.s32 @!p0 $0x1BF5;
	p2 =	por !p2, p0  }
0x20: {  	[sflag:s8] =	ssyncset.s32 @!p0 $0xFFFFF086;
	s6 =	sadd.s32 @!p0 s3, s7;
	s7 =	simm.s32 @!p0 $0x108  }
0x21: {  	s3 =	sadd.s32 s3, s9;
	s6 =	sadd.s32 @!p0 $0x88, s6;
	s7 =	simm.s32 @p2 $0x1082  }
0x22: {  	[simem:s7], [sflag:s8] =	dma.local @!p0 [hbm:s6], $0xF7A  }
0x23: {  	s9 =	sor.u32 $0xD0000000, s2;
	s6 =	simm.s32 $0x108;
	_ =	swait.ge @!p0 [sflag:s8], $0x0  }
0x24: {  	s3 =	sadd.s32 $0x88, s3;
	s6 =	simm.s32 @!p1 $0x1082;
	[sflag:s4] =	ssyncset.s32 $0xFFFFF086  }
0x25: {  	[simem:s6], [sflag:s4] =	dma.local [hbm:s3], $0xF7A  }
0x26: {  	[smem:$0x3F8F] =	sst s1;
	(tag) =	ssettag s2;
	_ =	strace s9  }
0x27: {  	s1 =	sld [smem:$0x3F9F]  }
0x28: {  	s2 =	sld [smem:$0x3FA0]  }
0x29: {  	s4 =	sld [smem:$0x3FA2]  }
0x2a: {  	p0 =	seq.s32 s5, $0x0;
	s5 =	sld [smem:$0x3FA3]  }
0x2b: {  	s6 =	sld [smem:$0x3FA4]  }
0x2c: {  	s7 =	sld [smem:$0x3FA5]  }
0x2d: {  	s3 =	simm.s32 $0x108;
	s8 =	sld [smem:$0x3FA6]  }
0x2e: {  	s3 =	simm.s32 @!p0 $0x1082;
	s9 =	sld [smem:$0x3FA7]  }
0x2f: {  	lr =	sadd.s32 s0, s3;
	s0 =	sld [smem:$0x3F9E]  }
0x30: {  	s3 =	sld [smem:$0x3FA1]  }
0x31: {  	[smem:$0x3FAA] =	sst s10  }
0x32: {  	s10 =	sld [smem:$0x3FA8];
	_ =	sdelay $0x3  }
0x33: {  	p0 =	seq.s32 s10, $0x1;
	s10 =	sld [smem:$0x3FAA];
	_ =	sdelay $0x3  }
0x34: {  	[smem:$0x3FAA] =	sst s10  }
0x35: {  	s10 =	sld [smem:$0x3FA9];
	_ =	sdelay $0x3  }
0x36: {  	p1 =	seq.s32 s10, $0x1;
	s10 =	sld [smem:$0x3FAA];
	_ =	sdelay $0x3  }
0x37: {  	[smem:$0x3FAA] =	sst s10  }
0x38: {  	s10 =	sld [smem:$0x3FAB]  }
0x39: {  	_ = 	snop;
	(pc) =	sbr.ind lr, $3  }
0x3a: {  	_ = 	snop  }
0x3b: {  	_ = 	snop  }
0x3c: {  	p2 =	seq.s32 s10, $0x1;
	s10 =	sld [smem:$0x3FAA]  }
0x3d: {  	_ =	shalt  }
0x3e: {  	_ =	shalt  }
0x3f: {  	_ =	shalt  }
0x40: {  	_ =	shalt  }
0x41: {  	_ =	shalt  }
0x42: {  	_ =	shalt  }
0x43: {  	_ =	shalt  }
0x44: {  	_ =	shalt  }
0x45: {  	_ =	shalt  }
0x46: {  	_ =	shalt  }
0x47: {  	_ =	shalt  }
0x48: {  	_ =	shalt  }
0x49: {  	_ =	shalt  }
0x4a: {  	_ =	shalt  }
0x4b: {  	_ =	shalt  }
0x4c: {  	_ =	shalt  }
0x4d: {  	_ =	shalt  }
0x4e: {  	_ =	shalt  }
0x4f: {  	_ =	shalt  }
0x50: {  	_ =	shalt  }
0x51: {  	_ =	shalt  }
0x52: {  	_ =	shalt  }
0x53: {  	_ =	shalt  }
0x54: {  	_ =	shalt  }
0x55: {  	_ =	shalt  }
0x56: {  	_ =	shalt  }
0x57: {  	_ =	shalt  }
0x58: {  	_ =	shalt  }
0x59: {  	_ =	shalt  }
0x5a: {  	_ =	shalt  }
0x5b: {  	_ =	shalt  }
0x5c: {  	_ =	shalt  }
0x5d: {  	_ =	shalt  }
0x5e: {  	_ =	shalt  }
0x5f: {  	_ =	shalt  }
0x60: {  	_ =	shalt  }
0x61: {  	_ =	shalt  }
0x62: {  	_ =	shalt  }
0x63: {  	_ =	shalt  }
0x64: {  	_ =	shalt  }
0x65: {  	_ =	shalt  }
0x66: {  	_ =	shalt  }
0x67: {  	_ =	shalt  }
0x68: {  	_ =	shalt  }
0x69: {  	_ =	shalt  }
0x6a: {  	_ =	shalt  }
0x6b: {  	_ =	shalt  }
0x6c: {  	_ =	shalt  }
0x6d: {  	_ =	shalt  }
0x6e: {  	_ =	shalt  }
0x6f: {  	_ =	shalt  }
0x70: {  	_ =	shalt  }
0x71: {  	_ =	shalt  }
0x72: {  	_ =	shalt  }
0x73: {  	_ =	shalt  }
0x74: {  	_ =	shalt  }
0x75: {  	_ =	shalt  }
0x76: {  	_ =	shalt  }
0x77: {  	_ =	shalt  }
0x78: {  	_ =	shalt  }
0x79: {  	_ =	shalt  }
0x7a: {  	_ =	shalt  }
0x7b: {  	_ =	shalt  }
0x7c: {  	_ =	shalt  }
0x7d: {  	_ =	shalt  }
0x7e: {  	_ =	shalt  }
0x7f: {  	_ =	shalt  }
0x80: {  	_ =	shalt  }
0x81: {  	_ =	shalt  }
0x82: {  	_ =	shalt  }
0x83: {  	_ =	shalt  }
0x84: {  	_ =	shalt  }
0x85: {  	_ =	shalt  }
0x86: {  	_ =	shalt  }
0x87: {  	_ =	shalt  }
.Lfunc_end0:
.L_simem_size_0:
called_computation.2_lowered:
.L_overlay_start_0:
0x88: {  	s2 =	sld [smem:$0x3FD9]  }
0x89: {  	s3 =	sld [smem:$0x3FFE];
	_ =	sdelay $0x1  }
0x8a: {  	s1 =	srdreg.scid  }
0x8b: {  	s0 =	sand.u32 $0x1, s1  }
0x8c: {  	s16 =	sshll.u32 s0, $0xA;
	s2 =	sadd.s32 s3, s2  }
0x8d: {  	s2 =	sadd.s32 s2, s16  }
0x8e: {  	[smem:$0x3FB6] =	sst s2  }
0x8f: {  	_ = 	snop  }
0x90: {  	(tm) =	ssettm $0x1  }
0x91: {  	s17 =	sld [smem:$0x3FFB];
	_ =	sdelay $0x3  }
0x92: {  	_ =	strace s17  }
0x93: {  	s2 =	sld [smem:$0x3FFC];
	_ =	sdelay $0x3  }
0x94: {  	_ =	strace s2  }
0x95: {  	s2 =	sld [smem:$0x3FFD];
	_ =	sdelay $0x3  }
0x96: {  	_ =	strace s2  }
0x97: {  	_ =	strace $0x8FFFFFFF  }
0x98: {  	s18 =	sld [smem:$0x3FDB];
	_ =	sdelay $0x1  }
0x99: {  	s19 =	simm.s32 $_scs_section_size  }
0x9a: {  	s4 =	simm.s32 $_size__tile_overlayer_lowered;
	s5 =	simm.s32 $_tile_overlayer_lowered  }
0x9b: {  	s22 =	simm.s32 $0x1BFF;
	s21 =	sshll.u32 s5, $0x1;
	s2 =	sadd.s32 s19, s18  }
0x9c: {  	s6 =	simm.s32 $0x0;
	s20 =	sshll.u32 s4, $0x1;
	s4 =	sadd.s32 s21, s2  }
0x9d: {  	[timem:s6], [sflag:s22] =	dma.local [hbm:s4], s20  }
0x9e: {  	_ =	swait.ge [sflag:s22], s20  }
0x9f: {  	s3 =	ssub.s32 $0x0, s20;
	[sflag:s22] =	ssyncset.done $0x0  }
0xa0: {  	[sflag:s22] =	ssyncadd.s32 s3;
	_ =	sdelay $0x1  }
0xa1: {  	s23 =	simm.s32 $0x1B8B  }
0xa2: {  	_ =	swait.ge [sflag:s23], $0x1  }
0xa3: {  	[sflag:s23] =	ssyncset.done $0x0  }
0xa4: {  	s25 =	simm.s32 $0x1B8E;
	s24 =	sld [smem:$0x3FFE];
	[sflag:s23] =	ssyncadd.s32 $0xFFFFFFFF  }
0xa5: {  	s26 =	simm.s32 $execute0_lowered;
	[smem:$0x3FD2] =	sst s25  }
0xa6: {  	s4 =	sshll.u32 s26, $0x1;
	_ =	strace $0x8000004C;
	[dreg:$0x1] =	wrdreg $0xFFFFFFFF  }
0xa7: {  	s28 =	simm.s32 $_size_execute0_lowered;
	s2 =	sadd.s32 s2, s4;
	[dreg:$0x0] =	wrdreg $0x0  }
0xa8: {  	s4 =	sshll.u32 s28, $0x1;
	[dreg:$0x2] =	wrdreg s2  }
0xa9: {  	[dreg:$0x3] =	wrdreg s4  }
0xaa: {  	[dreg:$0x4] =	wrdreg $0xC0  }
0xab: {  	_ =	task [dreg:s6], $0x5FFFF  }
0xac: {  	[dreg:$0x1] =	wrdreg $0xFFFFFFFF  }
0xad: {  	[dreg:$0x0] =	wrdreg $0x60  }
0xae: {  	[dreg:$0x2] =	wrdreg s24  }
0xaf: {  	[dreg:$0x3] =	wrdreg $0x41000  }
0xb0: {  	[dreg:$0x4] =	wrdreg $0x9  }
0xb1: {  	_ =	task.clear_ibuf [dreg:s6], $0x5FFFF;
	_ =	strace $0x9000004C  }
0xb2: {  	s29 =	simm.s32 $0x9;
	_ =	strace $0x8000004E  }
0xb3: {  	_ =	swait.ge [sflag:s29], $0x1  }
0xb4: {  	[sflag:s29] =	ssyncadd.s32 $0xFFFFFFFF  }
0xb5: {  	_ =	strace $0x9000004E  }
0xb6: {  	_ =	sfence  }
0xb7: {  	s30 =	sld [smem:$0x0];
	_ =	sdelay $0x2  }
0xb8: {  	s31 =	sshll.u32 s1, $0xD;
	s1 =	sshrl.u32 s1, $0x2  }
0xb9: {  	s3 =	sand.u32 $0x4000, s31;
	s1 =	sadd.s32 s1, s30  }
0xba: {  	s0 =	sor.u32 s3, s0;
	s1 =	sshll.u32 s1, $0x11  }
0xbb: {  	s0 =	sor.u32 s1, s0  }
0xbc: {  	s0 =	sadd.s32 $0x8F2B, s0  }
0xbd: {  	[sflag:s0] =	ssyncadd.remote.s32 $0x1  }
0xbe: {  	_ =	sfence.sel $0xFFFF  }
0xbf: {  	[dreg:$0x0] =	wrdreg $0xFFFFFFFF;
	(pc) =	sbr.abs _section_cstart, $3  }
0xc0: {  	[dreg:$0x1] =	wrdreg $0xFFFFFFFF  }
0xc1: {  	_ =	task.clear_ibuf [dreg:s6], $0x2FFFF;
	_ =	strace $0x9FFFFFFF  }
0xc2: {  	(tm) =	ssettm $0x7FFFFFFF  }
0xc3: {  	_ =	shalt  }
tec
execute0_lowered:
.L_overlay_start_1:
0x0: {  	(tag) =	ssettag $0x1  }
0x1: {  	s0 =	srdreg.scid;
	s8 =	rddreg [dreg:$0x0]  }
0x2: {  	s3 =	rddreg [dreg:$0x1];
	s7 =	sand.u32 $0x1, s0  }
0x3: {  	s0 =	stileid.u32;
	s9 =	smul.u32 $0x13C000, s7  }
0x4: {  	s1 =	rddreg [dreg:$0x2];
	s4 =	simm.s32 $0x0;
	s10 =	smul.u32 $0x13C00, s0  }
0x5: {  	[smem:$0x7FF] =	sst s4;
	s5 =	sadd.s32 $0x15E00, s8;
	s12 =	smul.u32 $0x4F000, s0  }
0x6: {  	s2 =	sxor.u32 $0x4F, s7;
	_ =	strace $0x8000004D;
	s13 =	smul.u32 $0x4F00, s7  }
0x7: {  	s28 =	ssub.s32 $0x2, s7;
	s31 =	sshll.u32 s0, $0x6;
	s6 =	smul.u32 s2, s0  }
0x8: {  	s29 =	sshrl.u32 s28, $0x1;
	s7 =	sor.u32 $0x1C02, s31;
	s9 =	sadd.s32 s10, s9  }
0x9: {  	s30 =	sshrl.u32 s12, $0x2;
	s6 =	sshll.u32 s6, $0x4;
	s9 =	sshrl.u32 s9, $0x3  }
0xa: {  	s12 =	sadd.s32 s30, s3;
	s11 =	sadd.s32 s6, s8;
	s6 =	sadd.s32 $0x3D000, s8  }
0xb: {  	s8 =	sadd.s32 s9, s8;
	s9 =	ssub.s32 s28, s29;
	s12 =	sshrl.u32 s12, $0x3  }
0xc: {  	s11 =	sadd.s32 s13, s11;
	s8 =	sadd.s32 $0x3F800, s8;
	s9 =	smax.u32 s9, $0x1  }
0xd: {  	s13 =	simm.s32 $0x2;
	s10 =	sadd.s32 $0xC000, s11;
	s11 =	sadd.s32 $0x2200, s11  }
.LBB2_1:
0xe: {  	[spmem:s12], [sflag:s7] =	dma.local [hbm:s6], $0x2780  }
0xf: {  	_ =	swait.ge [sflag:s13], $0x2780  }
0x10: {  	[sflag:s13] =	ssyncset.done $0x0  }
0x11: {  	p0 =	sle.u32 s2, $0x0;
	[sflag:s13] =	ssyncadd.s32 $0xFFFFD880  }
0x12: {  	s14 =	simm.s32 @!p0 $0x0;
	s15 =	simm.s32 @!p0 $0x3;
	[bflag:$0x0] =	sbarrier.arrive $0xFFFF  }
0x13: {  	[tilespmem:s14], [sflag:$0x3] =	stream.linear.gather @!p0 [hbm4b:s11+s14], $0x80, $0x38;
	[tilespmem:$0x17D00] =	vst v63  }
0x14: {  	_ =	swait.ge @!p0 [sflag:s15], $0x80  }
0x15: {  	s16 =	simm.s32 @!p0 $0x1;
	[sflag:s15] =	ssyncset.done @!p0 $0x0  }
0x16: {  	s18 =	simm.s32 @!p0 $0x80;
	s19 =	simm.s32 @!p0 $0x100;
	[sflag:s15] =	ssyncadd.s32 @!p0 $0xFFFFFF80  }
0x17: {  	[tilespmem:s19], [sflag:$0x1] =	stream.indirect.gather @!p0 [hbm4b:s5+s18], $0x80, s14, s18, $0xb8;
	[tilespmem:$0x17D00] =	vst v63  }
0x18: {  	_ =	swait.ge @!p0 [sflag:s16], $0x4000;
	p0 =	por p0, p0  }
0x19: {  	[sflag:s16] =	ssyncset.done @!p0 $0x0  }
0x1a: {  	[sflag:s16] =	ssyncadd.s32 @!p0 $0xFFFFC000  }
0x1b: {  	[tilespmem:s18], [sflag:$0x3] =	stream.linear.gather @!p0 [hbm4b:s10+s14], $0x80, $0x38;
	[tilespmem:$0x17D00] =	vst v63  }
0x1c: {  	_ =	swait.ge @!p0 [sflag:s15], $0x80  }
0x1d: {  	[sflag:s15] =	ssyncset.done @!p0 $0x0  }
0x1e: {  	s17 =	simm.s32 @!p0 $0x2;
	[sflag:s15] =	ssyncadd.s32 @!p0 $0xFFFFFF80  }
0x1f: {  	[spmem:s3] =	stream.indirect.scatter.add.f32 @!p0 [tilespmem:s19], [sflag:$0x2], $0x80, s18, s18, $0xb8;
	[tilespmem:$0x17D00] =	vst v63  }
0x20: {  	p1 =	sle.u32 s2, $0x1;
	s16 =	simm.s32 $0x2;
	_ =	swait.ge @!p0 [sflag:s17], $0x4000  }
0x21: {  	s14 =	sadd.s32 $0x10, s10;
	s15 =	sadd.s32 $0x10, s11;
	[sflag:s17] =	ssyncset.done @!p0 $0x0  }
.LBB2_2:
0x22: {  	s18 =	simm.s32 @!p1 $0x0;
	s19 =	simm.s32 @!p1 $0x3;
	[sflag:s17] =	ssyncadd.s32 @!p0 $0xFFFFC000  }
0x23: {  	[tilespmem:s18], [sflag:$0x3] =	stream.linear.gather @!p1 [hbm4b:s15+s18], $0x80, $0x38;
	[tilespmem:$0x17D00] =	vst v63  }
0x24: {  	s20 =	smov.u32 s16;
	s16 =	sadd.s32 $0x1, s16;
	_ =	swait.ge @!p1 [sflag:s19], $0x80  }
0x25: {  	s17 =	simm.s32 @!p1 $0x1;
	p2 =	sne.s32 s16, $0x4F;
	[sflag:s19] =	ssyncset.done @!p1 $0x0  }
0x26: {  	s21 =	simm.s32 @!p1 $0x80;
	s22 =	simm.s32 @!p1 $0x100;
	[sflag:s19] =	ssyncadd.s32 @!p1 $0xFFFFFF80  }
0x27: {  	[tilespmem:s22], [sflag:$0x1] =	stream.indirect.gather @!p1 [hbm4b:s5+s21], $0x80, s18, s21, $0xb8;
	[tilespmem:$0x17D00] =	vst v63  }
0x28: {  	p0 =	por p1, p1;
	_ =	swait.ge @!p1 [sflag:s17], $0x4000  }
0x29: {  	[sflag:s17] =	ssyncset.done @!p0 $0x0  }
0x2a: {  	[sflag:s17] =	ssyncadd.s32 @!p0 $0xFFFFC000  }
0x2b: {  	[tilespmem:s21], [sflag:$0x3] =	stream.linear.gather @!p0 [hbm4b:s14+s18], $0x80, $0x38;
	[tilespmem:$0x17D00] =	vst v63  }
0x2c: {  	_ =	swait.ge @!p0 [sflag:s19], $0x80  }
.Ltmp0:
0x2d: {  	[sflag:s19] =	ssyncset.done @!p0 $0x0;
	(pc) =	sbr.rel @p2 .LBB2_2-.Ltmp0, $4  }
0x2e: {  	s17 =	simm.s32 @!p0 $0x2;
	[sflag:s19] =	ssyncadd.s32 @!p0 $0xFFFFFF80  }
0x2f: {  	[spmem:s3] =	stream.indirect.scatter.add.f32 @!p0 [tilespmem:s22], [sflag:$0x2], $0x80, s21, s21, $0xb8;
	[tilespmem:$0x17D00] =	vst v63  }
0x30: {  	s15 =	sadd.s32 $0x10, s15;
	_ =	swait.ge @!p0 [sflag:s17], $0x4000  }
0x31: {  	p1 =	sge.u32 s20, s2;
	s14 =	sadd.s32 $0x10, s14;
	[sflag:s17] =	ssyncset.done @!p0 $0x0  }
0x32: {  	s16 =	simm.s32 @!p1 $0x0;
	s18 =	simm.s32 @!p1 $0x3;
	[sflag:s17] =	ssyncadd.s32 @!p0 $0xFFFFC000  }
0x33: {  	[tilespmem:s16], [sflag:$0x3] =	stream.linear.gather @!p1 [hbm4b:s15+s16], $0x80, $0x38;
	[tilespmem:$0x17D00] =	vst v63  }
0x34: {  	_ =	swait.ge @!p1 [sflag:s18], $0x80  }
0x35: {  	s17 =	simm.s32 @!p1 $0x80;
	[sflag:s18] =	ssyncset.done @!p1 $0x0  }
0x36: {  	s19 =	simm.s32 @!p1 $0x100;
	s15 =	simm.s32 @!p1 $0x1;
	[sflag:s18] =	ssyncadd.s32 @!p1 $0xFFFFFF80  }
0x37: {  	[tilespmem:s19], [sflag:$0x1] =	stream.indirect.gather @!p1 [hbm4b:s5+s17], $0x80, s16, s17, $0xb8;
	[tilespmem:$0x17D00] =	vst v63  }
0x38: {  	p0 =	por p1, p1;
	_ =	swait.ge @!p1 [sflag:s15], $0x4000  }
0x39: {  	[sflag:s15] =	ssyncset.done @!p0 $0x0  }
0x3a: {  	[sflag:s15] =	ssyncadd.s32 @!p0 $0xFFFFC000  }
0x3b: {  	[tilespmem:s17], [sflag:$0x3] =	stream.linear.gather @!p0 [hbm4b:s14+s16], $0x80, $0x38;
	[tilespmem:$0x17D00] =	vst v63  }
0x3c: {  	_ =	swait.ge @!p0 [sflag:s18], $0x80  }
0x3d: {  	[sflag:s18] =	ssyncset.done @!p0 $0x0  }
0x3e: {  	s14 =	simm.s32 @!p0 $0x2;
	[sflag:s18] =	ssyncadd.s32 @!p0 $0xFFFFFF80  }
0x3f: {  	[spmem:s3] =	stream.indirect.scatter.add.f32 @!p0 [tilespmem:s19], [sflag:$0x2], $0x80, s17, s17, $0xb8;
	[tilespmem:$0x17D00] =	vst v63  }
0x40: {  	_ =	swait.ge @!p0 [sflag:s14], $0x4000  }
0x41: {  	s4 =	sadd.s32 $0x1, s4;
	[sflag:s14] =	ssyncset.done @!p0 $0x0  }
0x42: {  	[sflag:s14] =	ssyncadd.s32 @!p0 $0xFFFFC000;
	p0 =	sne.s32 s4, s9  }
.Ltmp1:
0x43: {  	[bflag:$0x0] =	sbarrier.arrive $0xFFFF;
	(pc) =	sbr.rel @p0 .LBB2_1-.Ltmp1, $4  }
0x44: {  	[hbm:s8], [sflag:s7] =	dma.local [spmem:s12], $0x2780  }
0x45: {  	_ =	swait.ge [sflag:s13], $0x2780  }
0x46: {  	[sflag:s13] =	ssyncset.done $0x0  }
0x47: {  	[sflag:s13] =	ssyncadd.s32 $0xFFFFD880  }
0x48: {  	_ =	sfence.sel $0x180000  }
0x49: {  	[bflag:$0x0] =	sbarrier.arrive $0xFFFF  }
0x4a: {  	p0 =	sne.s32 s0, $0x0;
	_ =	strace $0x9000004D  }
0x4b: {  	s0 =	sadd.s32 @!p0 $0x100000, s1;
	[bflag:$0x2] =	sbarrier.arrive $0xFFFF  }
0x4c: {  	[sflag:s0] =	ssyncadd.tile.s32 @!p0 $0x1;
	_ =	shalt  }
.Lfunc_end2:
_tile_overlayer_lowered:
.L_overlay_start_2:
0x4d: {  	(tag) =	ssettag $0x2  }
0x4e: {  	s0 =	rddreg [dreg:$0x0];
	s2 =	stileid.u32  }
0x4f: {  	s1 =	rddreg [dreg:$0x1];
	p0 =	sne.s32 s2, $0x0  }
0x50: {  	s3 =	rddreg [dreg:$0x2];
	[bflag:$0x3] =	sbarrier.arrive $0xFFFF;
	s2 =	simm.s32 @!p0 $0x1C02  }
0x51: {  	[timem:s3], [sflag:s2] =	dma.local @!p0 [hbm:s0], s1  }
0x52: {  	s0 =	simm.s32 @!p0 $0x2  }
0x53: {  	_ =	swait.ge @!p0 [sflag:s0], s1  }
0x54: {  	s1 =	ssub.s32 @!p0 $0x0, s1;
	[sflag:s0] =	ssyncset.done @!p0 $0x0  }
0x55: {  	[sflag:s0] =	ssyncadd.s32 @!p0 s1  }
0x56: {  	[bflag:$0x3] =	sbarrier.arrive $0xFFFF  }
0x57: {  	_ =	shalt  }

</sc_bundles>
